<compile_context>
chip_gen: v7x
topology: tpu7x:2x2x1
jax: 0.10.2.dev20260603
libtpu: 0.0.44.dev20260713+nightly
codegen_flags: <defaults>
</compile_context>

<pallas_src>
import functools

import jax
import jax.numpy as jnp
from jax import lax
from jax.experimental import pallas as pl
from jax.experimental.pallas import tpu as pltpu
from jax.experimental.pallas import tpu_sc as plsc

VOCAB = 8192
D = 8192
NB = 8192
NW = 32
CK = 4
NBUF = 3
RPW = NB // NW
G = RPW // CK


def _make_gather():
    mesh = plsc.VectorSubcoreMesh(core_axis_name="c", subcore_axis_name="s")
    nc = 2

    @functools.partial(
        pl.kernel,
        mesh=mesh,
        out_type=jax.ShapeDtypeStruct((NB, D), jnp.float32),
        scratch_types=[
            pltpu.VMEM((G, CK), jnp.int32),
        ] + [pltpu.VMEM((CK, D), jnp.float32)] * NBUF
          + [pltpu.SemaphoreType.DMA] * (2 * NBUF),
    )
    def k(table_hbm, idx_hbm, out_hbm, idx_v, *bufs_sems):
        bufs = bufs_sems[:NBUF]
        gsems = bufs_sems[NBUF:2 * NBUF]
        osems = bufs_sems[2 * NBUF:]
        wid = lax.axis_index("s") * nc + lax.axis_index("c")
        base = wid * RPW
        pltpu.sync_copy(idx_hbm.at[wid], idx_v)

        def gather_copy(g, b):
            return pltpu.make_async_copy(
                table_hbm.at[idx_v.at[g]], bufs[b], gsems[b])

        def out_copy(g, b):
            return pltpu.make_async_copy(
                bufs[b], out_hbm.at[pl.ds(base + g * CK, CK)], osems[b])

        for b in range(NBUF):
            gather_copy(b, b).start()

        def step(s, carry):
            for b in range(NBUF):
                g = NBUF * s + b
                gather_copy(g, b).wait()
                out_copy(g, b).start()
            for b in range(NBUF):
                g = NBUF * s + b
                out_copy(g, b).wait()
                gather_copy(g + NBUF, b).start()
            return carry

        steps = G // NBUF - 1
        lax.fori_loop(0, steps, step, 0, unroll=False)

        tail0 = steps * NBUF
        for g in range(tail0, G):
            b = g % NBUF
            if g >= tail0 + NBUF:
                out_copy(g - NBUF, b).wait()
                gather_copy(g, b).start()
            gather_copy(g, b).wait()
            out_copy(g, b).start()
        for g in range(G - NBUF, G):
            out_copy(g, g % NBUF).wait()

    return k


_gather = _make_gather()


def kernel(x, table):
    idx = x.reshape(NW, G, CK).astype(jnp.int32)
    out = _gather(table, idx)
    return out.reshape(x.shape[0], x.shape[1], D)

# --- scband reference (transcript-rebuilt; emitter-appended) ---
"""Pipeline reference for scband-bigram-model-30829275250947 (READ-ONLY COPY).

The authoritative reference and input builder live on the scoring server;
editing this copy changes nothing except your own understanding.
"""

import jax, jax.numpy as jnp
import numpy as np

VOCAB = 8192
BATCH = 4
SEQ = 2048

def setup_inputs(seed: int = 0) -> dict:
    key = jax.random.key(seed)
    k1, k2 = jax.random.split(key)
    x = jax.random.randint(k1, (BATCH, SEQ), 0, VOCAB, dtype=jnp.int64) if jax.config.jax_enable_x64 else jax.random.randint(k1, (BATCH, SEQ), 0, VOCAB, dtype=jnp.int32)
    table = jax.random.normal(k2, (VOCAB, VOCAB), dtype=jnp.float32)
    return {"x": x, "table": table}

def reference(x, table):
    # BigramModel.forward: embedding lookup into a [vocab, vocab] table
    return jnp.take(table, x, axis=0)

if __name__ == "__main__":
    import jax
    _d = setup_inputs()
    print(jax.jit(kernel)(*tuple(_d.values())))

</pallas_src>

<mosaic_0001>
#map = affine_map<(d0, d1) -> (0, 0)>
#map1 = affine_map<(d0, d1) -> (0, 0, 0)>
module attributes {stable_mosaic.version = 14 : i64} {
  func.func @k(%arg0: i32, %arg1: i32, %arg2: memref<8192x8192xf32, #tpu.memory_space<hbm>>, %arg3: memref<32x64x4xi32, #tpu.memory_space<hbm>>, %arg4: memref<8192x8192xf32, #tpu.memory_space<hbm>>, %arg5: memref<64x4xi32, #tpu.memory_space<vmem>>, %arg6: memref<4x8192xf32, #tpu.memory_space<vmem>>, %arg7: memref<4x8192xf32, #tpu.memory_space<vmem>>, %arg8: memref<4x8192xf32, #tpu.memory_space<vmem>>, %arg9: memref<!tpu.dma_semaphore, #tpu.memory_space<semaphore_mem>>, %arg10: memref<!tpu.dma_semaphore, #tpu.memory_space<semaphore_mem>>, %arg11: memref<!tpu.dma_semaphore, #tpu.memory_space<semaphore_mem>>, %arg12: memref<!tpu.dma_semaphore, #tpu.memory_space<semaphore_mem>>, %arg13: memref<!tpu.dma_semaphore, #tpu.memory_space<semaphore_mem>>, %arg14: memref<!tpu.dma_semaphore, #tpu.memory_space<semaphore_mem>>) attributes {dimension_semantics = [#tpu.dimension_semantics<core_parallel>, #tpu.dimension_semantics<subcore_parallel>], iteration_bounds = array<i64: 2, 16>, scalar_prefetch = 0 : i64, scratch_operands = 10 : i64, tpu.core_type = #tpu.core_type<sc_vector_subcore>, window_params = [{transform_indices = #map}, {transform_indices = #map1}, {transform_indices = #map}]} {
    %mul3A = arith.constant 2 : i32
    %mul3A_0 = arith.muli %arg1, %mul3A : i32
    %add3A = arith.addi %mul3A_0, %arg0 : i32
    %mul3A_1 = arith.constant 256 : i32
    %mul3A_2 = arith.muli %add3A, %mul3A_1 : i32
    "tpu.region"() ({
      %run_scoped3A = tpu.sem_alloc : memref<!tpu.dma_semaphore, #tpu.memory_space<semaphore_mem>>
      %dma_start3A_110 = arith.constant 0 : i32
      %dma_start3A_111 = arith.constant 0 : i32
      %dma_start3A_112 = tpu.memref_slice %arg3[%add3A, %dma_start3A_110, %dma_start3A_111] : memref<32x64x4xi32, #tpu.memory_space<hbm>> -> memref<1x64x4xi32, #tpu.memory_space<hbm>>
      %dma_start3A_113 = tpu.memref_squeeze %dma_start3A_112 : memref<1x64x4xi32, #tpu.memory_space<hbm>> -> memref<64x4xi32, #tpu.memory_space<hbm>>
      %dma_start3A_114 = arith.constant 0 : i32
      %dma_start3A_115 = arith.constant 0 : i32
      %dma_start3A_116 = tpu.memref_slice %arg3[%add3A, %dma_start3A_114, %dma_start3A_115] : memref<32x64x4xi32, #tpu.memory_space<hbm>> -> memref<1x64x4xi32, #tpu.memory_space<hbm>>
      %dma_start3A_117 = tpu.memref_squeeze %dma_start3A_116 : memref<1x64x4xi32, #tpu.memory_space<hbm>> -> memref<64x4xi32, #tpu.memory_space<hbm>>
      tpu.enqueue_dma source(%dma_start3A_117 : memref<64x4xi32, #tpu.memory_space<hbm>>) target(%arg5 : memref<64x4xi32, #tpu.memory_space<vmem>>) target_semaphore(%run_scoped3A : memref<!tpu.dma_semaphore, #tpu.memory_space<semaphore_mem>>)
      %dma_wait3A_118 = arith.constant 0 : i32
      %dma_wait3A_119 = arith.constant 0 : i32
      %dma_wait3A_120 = tpu.memref_slice %arg3[%add3A, %dma_wait3A_118, %dma_wait3A_119] : memref<32x64x4xi32, #tpu.memory_space<hbm>> -> memref<1x64x4xi32, #tpu.memory_space<hbm>>
      %dma_wait3A_121 = tpu.memref_squeeze %dma_wait3A_120 : memref<1x64x4xi32, #tpu.memory_space<hbm>> -> memref<64x4xi32, #tpu.memory_space<hbm>>
      %dma_wait3A_122 = arith.constant 0 : i32
      %dma_wait3A_123 = arith.constant 0 : i32
      %dma_wait3A_124 = tpu.memref_slice %arg3[%add3A, %dma_wait3A_122, %dma_wait3A_123] : memref<32x64x4xi32, #tpu.memory_space<hbm>> -> memref<1x64x4xi32, #tpu.memory_space<hbm>>
      %dma_wait3A_125 = tpu.memref_squeeze %dma_wait3A_124 : memref<1x64x4xi32, #tpu.memory_space<hbm>> -> memref<64x4xi32, #tpu.memory_space<hbm>>
      tpu.wait_dma2 semaphore(%run_scoped3A : memref<!tpu.dma_semaphore, #tpu.memory_space<semaphore_mem>>) src(%dma_wait3A_125 : memref<64x4xi32, #tpu.memory_space<hbm>>) dst(%arg5 : memref<64x4xi32, #tpu.memory_space<vmem>>)
      tpu.yield
    }) : () -> ()
    %dma_start3A = arith.constant 0 : i32
    %dma_start3A_3 = arith.constant 0 : i32
    %dma_start3A_4 = tpu.memref_slice %arg5[%dma_start3A, %dma_start3A_3] : memref<64x4xi32, #tpu.memory_space<vmem>> -> memref<1x4xi32, #tpu.memory_space<vmem>>
    %dma_start3A_5 = tpu.memref_squeeze %dma_start3A_4 : memref<1x4xi32, #tpu.memory_space<vmem>> -> memref<4xi32, #tpu.memory_space<vmem>>
    %dma_start3A_6 = arith.constant 0 : i32
    %dma_start3A_7 = arith.constant 0 : i32
    %dma_start3A_8 = tpu.memref_slice %arg2[%dma_start3A_6, %dma_start3A_7] : memref<8192x8192xf32, #tpu.memory_space<hbm>> -> memref<8192x8192xf32, #tpu.memory_space<hbm>>
    tpu.enqueue_indirect_dma source(%dma_start3A_8 : memref<8192x8192xf32, #tpu.memory_space<hbm>>) target(%arg6 : memref<4x8192xf32, #tpu.memory_space<vmem>>) offsets(%dma_start3A_5 : memref<4xi32, #tpu.memory_space<vmem>>) semaphore(%arg9 : memref<!tpu.dma_semaphore, #tpu.memory_space<semaphore_mem>>)
    %dma_start3A_9 = arith.constant 1 : i32
    %dma_start3A_10 = arith.constant 0 : i32
    %dma_start3A_11 = tpu.memref_slice %arg5[%dma_start3A_9, %dma_start3A_10] : memref<64x4xi32, #tpu.memory_space<vmem>> -> memref<1x4xi32, #tpu.memory_space<vmem>>
    %dma_start3A_12 = tpu.memref_squeeze %dma_start3A_11 : memref<1x4xi32, #tpu.memory_space<vmem>> -> memref<4xi32, #tpu.memory_space<vmem>>
    %dma_start3A_13 = arith.constant 0 : i32
    %dma_start3A_14 = arith.constant 0 : i32
    %dma_start3A_15 = tpu.memref_slice %arg2[%dma_start3A_13, %dma_start3A_14] : memref<8192x8192xf32, #tpu.memory_space<hbm>> -> memref<8192x8192xf32, #tpu.memory_space<hbm>>
    tpu.enqueue_indirect_dma source(%dma_start3A_15 : memref<8192x8192xf32, #tpu.memory_space<hbm>>) target(%arg7 : memref<4x8192xf32, #tpu.memory_space<vmem>>) offsets(%dma_start3A_12 : memref<4xi32, #tpu.memory_space<vmem>>) semaphore(%arg10 : memref<!tpu.dma_semaphore, #tpu.memory_space<semaphore_mem>>)
    %dma_start3A_16 = arith.constant 2 : i32
    %dma_start3A_17 = arith.constant 0 : i32
    %dma_start3A_18 = tpu.memref_slice %arg5[%dma_start3A_16, %dma_start3A_17] : memref<64x4xi32, #tpu.memory_space<vmem>> -> memref<1x4xi32, #tpu.memory_space<vmem>>
    %dma_start3A_19 = tpu.memref_squeeze %dma_start3A_18 : memref<1x4xi32, #tpu.memory_space<vmem>> -> memref<4xi32, #tpu.memory_space<vmem>>
    %dma_start3A_20 = arith.constant 0 : i32
    %dma_start3A_21 = arith.constant 0 : i32
    %dma_start3A_22 = tpu.memref_slice %arg2[%dma_start3A_20, %dma_start3A_21] : memref<8192x8192xf32, #tpu.memory_space<hbm>> -> memref<8192x8192xf32, #tpu.memory_space<hbm>>
    tpu.enqueue_indirect_dma source(%dma_start3A_22 : memref<8192x8192xf32, #tpu.memory_space<hbm>>) target(%arg8 : memref<4x8192xf32, #tpu.memory_space<vmem>>) offsets(%dma_start3A_19 : memref<4xi32, #tpu.memory_space<vmem>>) semaphore(%arg11 : memref<!tpu.dma_semaphore, #tpu.memory_space<semaphore_mem>>)
    %scan3A = arith.constant 0 : i32
    %scan3A_23 = arith.constant 0 : i32
    %scan3A_24 = arith.constant 20 : i32
    %scan3A_25 = arith.addi %scan3A_23, %scan3A_24 : i32
    %scan3A_26 = arith.constant 1 : i32
    scf.for %scan3A_110 = %scan3A_23 to %scan3A_25 step %scan3A_26  : i32 {
      %mul3A_111 = arith.constant 3 : i32
      %mul3A_112 = arith.muli %mul3A_111, %scan3A_110 : i32
      %add3A_113 = arith.constant 0 : i32
      %add3A_114 = arith.addi %mul3A_112, %add3A_113 : i32
      %dma_wait3A_115 = arith.constant 0 : i32
      %dma_wait3A_116 = tpu.memref_slice %arg5[%add3A_114, %dma_wait3A_115] : memref<64x4xi32, #tpu.memory_space<vmem>> -> memref<1x4xi32, #tpu.memory_space<vmem>>
      %dma_wait3A_117 = tpu.memref_squeeze %dma_wait3A_116 : memref<1x4xi32, #tpu.memory_space<vmem>> -> memref<4xi32, #tpu.memory_space<vmem>>
      %dma_wait3A_118 = arith.constant 0 : i32
      %dma_wait3A_119 = arith.constant 0 : i32
      %dma_wait3A_120 = tpu.memref_slice %arg2[%dma_wait3A_118, %dma_wait3A_119] : memref<8192x8192xf32, #tpu.memory_space<hbm>> -> memref<8192x8192xf32, #tpu.memory_space<hbm>>
      tpu.wait_indirect_dma semaphore(%arg9 : memref<!tpu.dma_semaphore, #tpu.memory_space<semaphore_mem>>) src(%dma_wait3A_120 : memref<8192x8192xf32, #tpu.memory_space<hbm>>) dst(%arg6 : memref<4x8192xf32, #tpu.memory_space<vmem>>)
      %mul3A_121 = arith.constant 4 : i32
      %mul3A_122 = arith.muli %add3A_114, %mul3A_121 : i32
      %add3A_123 = arith.addi %mul3A_2, %mul3A_122 : i32
      %dma_start3A_124 = arith.constant 0 : i32
      %dma_start3A_125 = tpu.memref_slice %arg4[%add3A_123, %dma_start3A_124] : memref<8192x8192xf32, #tpu.memory_space<hbm>> -> memref<4x8192xf32, #tpu.memory_space<hbm>>
      %dma_start3A_126 = arith.constant 0 : i32
      %dma_start3A_127 = tpu.memref_slice %arg4[%add3A_123, %dma_start3A_126] : memref<8192x8192xf32, #tpu.memory_space<hbm>> -> memref<4x8192xf32, #tpu.memory_space<hbm>>
      tpu.enqueue_dma source(%arg6 : memref<4x8192xf32, #tpu.memory_space<vmem>>) target(%dma_start3A_127 : memref<4x8192xf32, #tpu.memory_space<hbm>>) target_semaphore(%arg12 : memref<!tpu.dma_semaphore, #tpu.memory_space<semaphore_mem>>)
      %mul3A_128 = arith.constant 3 : i32
      %mul3A_129 = arith.muli %mul3A_128, %scan3A_110 : i32
      %add3A_130 = arith.constant 1 : i32
      %add3A_131 = arith.addi %mul3A_129, %add3A_130 : i32
      %dma_wait3A_132 = arith.constant 0 : i32
      %dma_wait3A_133 = tpu.memref_slice %arg5[%add3A_131, %dma_wait3A_132] : memref<64x4xi32, #tpu.memory_space<vmem>> -> memref<1x4xi32, #tpu.memory_space<vmem>>
      %dma_wait3A_134 = tpu.memref_squeeze %dma_wait3A_133 : memref<1x4xi32, #tpu.memory_space<vmem>> -> memref<4xi32, #tpu.memory_space<vmem>>
      %dma_wait3A_135 = arith.constant 0 : i32
      %dma_wait3A_136 = arith.constant 0 : i32
      %dma_wait3A_137 = tpu.memref_slice %arg2[%dma_wait3A_135, %dma_wait3A_136] : memref<8192x8192xf32, #tpu.memory_space<hbm>> -> memref<8192x8192xf32, #tpu.memory_space<hbm>>
      tpu.wait_indirect_dma semaphore(%arg10 : memref<!tpu.dma_semaphore, #tpu.memory_space<semaphore_mem>>) src(%dma_wait3A_137 : memref<8192x8192xf32, #tpu.memory_space<hbm>>) dst(%arg7 : memref<4x8192xf32, #tpu.memory_space<vmem>>)
      %mul3A_138 = arith.constant 4 : i32
      %mul3A_139 = arith.muli %add3A_131, %mul3A_138 : i32
      %add3A_140 = arith.addi %mul3A_2, %mul3A_139 : i32
      %dma_start3A_141 = arith.constant 0 : i32
      %dma_start3A_142 = tpu.memref_slice %arg4[%add3A_140, %dma_start3A_141] : memref<8192x8192xf32, #tpu.memory_space<hbm>> -> memref<4x8192xf32, #tpu.memory_space<hbm>>
      %dma_start3A_143 = arith.constant 0 : i32
      %dma_start3A_144 = tpu.memref_slice %arg4[%add3A_140, %dma_start3A_143] : memref<8192x8192xf32, #tpu.memory_space<hbm>> -> memref<4x8192xf32, #tpu.memory_space<hbm>>
      tpu.enqueue_dma source(%arg7 : memref<4x8192xf32, #tpu.memory_space<vmem>>) target(%dma_start3A_144 : memref<4x8192xf32, #tpu.memory_space<hbm>>) target_semaphore(%arg13 : memref<!tpu.dma_semaphore, #tpu.memory_space<semaphore_mem>>)
      %mul3A_145 = arith.constant 3 : i32
      %mul3A_146 = arith.muli %mul3A_145, %scan3A_110 : i32
      %add3A_147 = arith.constant 2 : i32
      %add3A_148 = arith.addi %mul3A_146, %add3A_147 : i32
      %dma_wait3A_149 = arith.constant 0 : i32
      %dma_wait3A_150 = tpu.memref_slice %arg5[%add3A_148, %dma_wait3A_149] : memref<64x4xi32, #tpu.memory_space<vmem>> -> memref<1x4xi32, #tpu.memory_space<vmem>>
      %dma_wait3A_151 = tpu.memref_squeeze %dma_wait3A_150 : memref<1x4xi32, #tpu.memory_space<vmem>> -> memref<4xi32, #tpu.memory_space<vmem>>
      %dma_wait3A_152 = arith.constant 0 : i32
      %dma_wait3A_153 = arith.constant 0 : i32
      %dma_wait3A_154 = tpu.memref_slice %arg2[%dma_wait3A_152, %dma_wait3A_153] : memref<8192x8192xf32, #tpu.memory_space<hbm>> -> memref<8192x8192xf32, #tpu.memory_space<hbm>>
      tpu.wait_indirect_dma semaphore(%arg11 : memref<!tpu.dma_semaphore, #tpu.memory_space<semaphore_mem>>) src(%dma_wait3A_154 : memref<8192x8192xf32, #tpu.memory_space<hbm>>) dst(%arg8 : memref<4x8192xf32, #tpu.memory_space<vmem>>)
      %mul3A_155 = arith.constant 4 : i32
      %mul3A_156 = arith.muli %add3A_148, %mul3A_155 : i32
      %add3A_157 = arith.addi %mul3A_2, %mul3A_156 : i32
      %dma_start3A_158 = arith.constant 0 : i32
      %dma_start3A_159 = tpu.memref_slice %arg4[%add3A_157, %dma_start3A_158] : memref<8192x8192xf32, #tpu.memory_space<hbm>> -> memref<4x8192xf32, #tpu.memory_space<hbm>>
      %dma_start3A_160 = arith.constant 0 : i32
      %dma_start3A_161 = tpu.memref_slice %arg4[%add3A_157, %dma_start3A_160] : memref<8192x8192xf32, #tpu.memory_space<hbm>> -> memref<4x8192xf32, #tpu.memory_space<hbm>>
      tpu.enqueue_dma source(%arg8 : memref<4x8192xf32, #tpu.memory_space<vmem>>) target(%dma_start3A_161 : memref<4x8192xf32, #tpu.memory_space<hbm>>) target_semaphore(%arg14 : memref<!tpu.dma_semaphore, #tpu.memory_space<semaphore_mem>>)
      %mul3A_162 = arith.constant 3 : i32
      %mul3A_163 = arith.muli %mul3A_162, %scan3A_110 : i32
      %add3A_164 = arith.constant 0 : i32
      %add3A_165 = arith.addi %mul3A_163, %add3A_164 : i32
      %mul3A_166 = arith.constant 4 : i32
      %mul3A_167 = arith.muli %add3A_165, %mul3A_166 : i32
      %add3A_168 = arith.addi %mul3A_2, %mul3A_167 : i32
      %dma_wait3A_169 = arith.constant 0 : i32
      %dma_wait3A_170 = tpu.memref_slice %arg4[%add3A_168, %dma_wait3A_169] : memref<8192x8192xf32, #tpu.memory_space<hbm>> -> memref<4x8192xf32, #tpu.memory_space<hbm>>
      %dma_wait3A_171 = arith.constant 0 : i32
      %dma_wait3A_172 = tpu.memref_slice %arg4[%add3A_168, %dma_wait3A_171] : memref<8192x8192xf32, #tpu.memory_space<hbm>> -> memref<4x8192xf32, #tpu.memory_space<hbm>>
      tpu.wait_dma2 semaphore(%arg12 : memref<!tpu.dma_semaphore, #tpu.memory_space<semaphore_mem>>) src(%arg6 : memref<4x8192xf32, #tpu.memory_space<vmem>>) dst(%dma_wait3A_172 : memref<4x8192xf32, #tpu.memory_space<hbm>>)
      %add3A_173 = arith.constant 3 : i32
      %add3A_174 = arith.addi %add3A_165, %add3A_173 : i32
      %dma_start3A_175 = arith.constant 0 : i32
      %dma_start3A_176 = tpu.memref_slice %arg5[%add3A_174, %dma_start3A_175] : memref<64x4xi32, #tpu.memory_space<vmem>> -> memref<1x4xi32, #tpu.memory_space<vmem>>
      %dma_start3A_177 = tpu.memref_squeeze %dma_start3A_176 : memref<1x4xi32, #tpu.memory_space<vmem>> -> memref<4xi32, #tpu.memory_space<vmem>>
      %dma_start3A_178 = arith.constant 0 : i32
      %dma_start3A_179 = arith.constant 0 : i32
      %dma_start3A_180 = tpu.memref_slice %arg2[%dma_start3A_178, %dma_start3A_179] : memref<8192x8192xf32, #tpu.memory_space<hbm>> -> memref<8192x8192xf32, #tpu.memory_space<hbm>>
      tpu.enqueue_indirect_dma source(%dma_start3A_180 : memref<8192x8192xf32, #tpu.memory_space<hbm>>) target(%arg6 : memref<4x8192xf32, #tpu.memory_space<vmem>>) offsets(%dma_start3A_177 : memref<4xi32, #tpu.memory_space<vmem>>) semaphore(%arg9 : memref<!tpu.dma_semaphore, #tpu.memory_space<semaphore_mem>>)
      %mul3A_181 = arith.constant 3 : i32
      %mul3A_182 = arith.muli %mul3A_181, %scan3A_110 : i32
      %add3A_183 = arith.constant 1 : i32
      %add3A_184 = arith.addi %mul3A_182, %add3A_183 : i32
      %mul3A_185 = arith.constant 4 : i32
      %mul3A_186 = arith.muli %add3A_184, %mul3A_185 : i32
      %add3A_187 = arith.addi %mul3A_2, %mul3A_186 : i32
      %dma_wait3A_188 = arith.constant 0 : i32
      %dma_wait3A_189 = tpu.memref_slice %arg4[%add3A_187, %dma_wait3A_188] : memref<8192x8192xf32, #tpu.memory_space<hbm>> -> memref<4x8192xf32, #tpu.memory_space<hbm>>
      %dma_wait3A_190 = arith.constant 0 : i32
      %dma_wait3A_191 = tpu.memref_slice %arg4[%add3A_187, %dma_wait3A_190] : memref<8192x8192xf32, #tpu.memory_space<hbm>> -> memref<4x8192xf32, #tpu.memory_space<hbm>>
      tpu.wait_dma2 semaphore(%arg13 : memref<!tpu.dma_semaphore, #tpu.memory_space<semaphore_mem>>) src(%arg7 : memref<4x8192xf32, #tpu.memory_space<vmem>>) dst(%dma_wait3A_191 : memref<4x8192xf32, #tpu.memory_space<hbm>>)
      %add3A_192 = arith.constant 3 : i32
      %add3A_193 = arith.addi %add3A_184, %add3A_192 : i32
      %dma_start3A_194 = arith.constant 0 : i32
      %dma_start3A_195 = tpu.memref_slice %arg5[%add3A_193, %dma_start3A_194] : memref<64x4xi32, #tpu.memory_space<vmem>> -> memref<1x4xi32, #tpu.memory_space<vmem>>
      %dma_start3A_196 = tpu.memref_squeeze %dma_start3A_195 : memref<1x4xi32, #tpu.memory_space<vmem>> -> memref<4xi32, #tpu.memory_space<vmem>>
      %dma_start3A_197 = arith.constant 0 : i32
      %dma_start3A_198 = arith.constant 0 : i32
      %dma_start3A_199 = tpu.memref_slice %arg2[%dma_start3A_197, %dma_start3A_198] : memref<8192x8192xf32, #tpu.memory_space<hbm>> -> memref<8192x8192xf32, #tpu.memory_space<hbm>>
      tpu.enqueue_indirect_dma source(%dma_start3A_199 : memref<8192x8192xf32, #tpu.memory_space<hbm>>) target(%arg7 : memref<4x8192xf32, #tpu.memory_space<vmem>>) offsets(%dma_start3A_196 : memref<4xi32, #tpu.memory_space<vmem>>) semaphore(%arg10 : memref<!tpu.dma_semaphore, #tpu.memory_space<semaphore_mem>>)
      %mul3A_200 = arith.constant 3 : i32
      %mul3A_201 = arith.muli %mul3A_200, %scan3A_110 : i32
      %add3A_202 = arith.constant 2 : i32
      %add3A_203 = arith.addi %mul3A_201, %add3A_202 : i32
      %mul3A_204 = arith.constant 4 : i32
      %mul3A_205 = arith.muli %add3A_203, %mul3A_204 : i32
      %add3A_206 = arith.addi %mul3A_2, %mul3A_205 : i32
      %dma_wait3A_207 = arith.constant 0 : i32
      %dma_wait3A_208 = tpu.memref_slice %arg4[%add3A_206, %dma_wait3A_207] : memref<8192x8192xf32, #tpu.memory_space<hbm>> -> memref<4x8192xf32, #tpu.memory_space<hbm>>
      %dma_wait3A_209 = arith.constant 0 : i32
      %dma_wait3A_210 = tpu.memref_slice %arg4[%add3A_206, %dma_wait3A_209] : memref<8192x8192xf32, #tpu.memory_space<hbm>> -> memref<4x8192xf32, #tpu.memory_space<hbm>>
      tpu.wait_dma2 semaphore(%arg14 : memref<!tpu.dma_semaphore, #tpu.memory_space<semaphore_mem>>) src(%arg8 : memref<4x8192xf32, #tpu.memory_space<vmem>>) dst(%dma_wait3A_210 : memref<4x8192xf32, #tpu.memory_space<hbm>>)
      %add3A_211 = arith.constant 3 : i32
      %add3A_212 = arith.addi %add3A_203, %add3A_211 : i32
      %dma_start3A_213 = arith.constant 0 : i32
      %dma_start3A_214 = tpu.memref_slice %arg5[%add3A_212, %dma_start3A_213] : memref<64x4xi32, #tpu.memory_space<vmem>> -> memref<1x4xi32, #tpu.memory_space<vmem>>
      %dma_start3A_215 = tpu.memref_squeeze %dma_start3A_214 : memref<1x4xi32, #tpu.memory_space<vmem>> -> memref<4xi32, #tpu.memory_space<vmem>>
      %dma_start3A_216 = arith.constant 0 : i32
      %dma_start3A_217 = arith.constant 0 : i32
      %dma_start3A_218 = tpu.memref_slice %arg2[%dma_start3A_216, %dma_start3A_217] : memref<8192x8192xf32, #tpu.memory_space<hbm>> -> memref<8192x8192xf32, #tpu.memory_space<hbm>>
      tpu.enqueue_indirect_dma source(%dma_start3A_218 : memref<8192x8192xf32, #tpu.memory_space<hbm>>) target(%arg8 : memref<4x8192xf32, #tpu.memory_space<vmem>>) offsets(%dma_start3A_215 : memref<4xi32, #tpu.memory_space<vmem>>) semaphore(%arg11 : memref<!tpu.dma_semaphore, #tpu.memory_space<semaphore_mem>>)
    }
    %scan3A_27 = arith.constant 20 : i32
    %dma_wait3A = arith.constant 60 : i32
    %dma_wait3A_28 = arith.constant 0 : i32
    %dma_wait3A_29 = tpu.memref_slice %arg5[%dma_wait3A, %dma_wait3A_28] : memref<64x4xi32, #tpu.memory_space<vmem>> -> memref<1x4xi32, #tpu.memory_space<vmem>>
    %dma_wait3A_30 = tpu.memref_squeeze %dma_wait3A_29 : memref<1x4xi32, #tpu.memory_space<vmem>> -> memref<4xi32, #tpu.memory_space<vmem>>
    %dma_wait3A_31 = arith.constant 0 : i32
    %dma_wait3A_32 = arith.constant 0 : i32
    %dma_wait3A_33 = tpu.memref_slice %arg2[%dma_wait3A_31, %dma_wait3A_32] : memref<8192x8192xf32, #tpu.memory_space<hbm>> -> memref<8192x8192xf32, #tpu.memory_space<hbm>>
    tpu.wait_indirect_dma semaphore(%arg9 : memref<!tpu.dma_semaphore, #tpu.memory_space<semaphore_mem>>) src(%dma_wait3A_33 : memref<8192x8192xf32, #tpu.memory_space<hbm>>) dst(%arg6 : memref<4x8192xf32, #tpu.memory_space<vmem>>)
    %add3A_34 = arith.constant 240 : i32
    %add3A_35 = arith.addi %mul3A_2, %add3A_34 : i32
    %dma_start3A_36 = arith.constant 0 : i32
    %dma_start3A_37 = tpu.memref_slice %arg4[%add3A_35, %dma_start3A_36] : memref<8192x8192xf32, #tpu.memory_space<hbm>> -> memref<4x8192xf32, #tpu.memory_space<hbm>>
    %dma_start3A_38 = arith.constant 0 : i32
    %dma_start3A_39 = tpu.memref_slice %arg4[%add3A_35, %dma_start3A_38] : memref<8192x8192xf32, #tpu.memory_space<hbm>> -> memref<4x8192xf32, #tpu.memory_space<hbm>>
    tpu.enqueue_dma source(%arg6 : memref<4x8192xf32, #tpu.memory_space<vmem>>) target(%dma_start3A_39 : memref<4x8192xf32, #tpu.memory_space<hbm>>) target_semaphore(%arg12 : memref<!tpu.dma_semaphore, #tpu.memory_space<semaphore_mem>>)
    %dma_wait3A_40 = arith.constant 61 : i32
    %dma_wait3A_41 = arith.constant 0 : i32
    %dma_wait3A_42 = tpu.memref_slice %arg5[%dma_wait3A_40, %dma_wait3A_41] : memref<64x4xi32, #tpu.memory_space<vmem>> -> memref<1x4xi32, #tpu.memory_space<vmem>>
    %dma_wait3A_43 = tpu.memref_squeeze %dma_wait3A_42 : memref<1x4xi32, #tpu.memory_space<vmem>> -> memref<4xi32, #tpu.memory_space<vmem>>
    %dma_wait3A_44 = arith.constant 0 : i32
    %dma_wait3A_45 = arith.constant 0 : i32
    %dma_wait3A_46 = tpu.memref_slice %arg2[%dma_wait3A_44, %dma_wait3A_45] : memref<8192x8192xf32, #tpu.memory_space<hbm>> -> memref<8192x8192xf32, #tpu.memory_space<hbm>>
    tpu.wait_indirect_dma semaphore(%arg10 : memref<!tpu.dma_semaphore, #tpu.memory_space<semaphore_mem>>) src(%dma_wait3A_46 : memref<8192x8192xf32, #tpu.memory_space<hbm>>) dst(%arg7 : memref<4x8192xf32, #tpu.memory_space<vmem>>)
    %add3A_47 = arith.constant 244 : i32
    %add3A_48 = arith.addi %mul3A_2, %add3A_47 : i32
    %dma_start3A_49 = arith.constant 0 : i32
    %dma_start3A_50 = tpu.memref_slice %arg4[%add3A_48, %dma_start3A_49] : memref<8192x8192xf32, #tpu.memory_space<hbm>> -> memref<4x8192xf32, #tpu.memory_space<hbm>>
    %dma_start3A_51 = arith.constant 0 : i32
    %dma_start3A_52 = tpu.memref_slice %arg4[%add3A_48, %dma_start3A_51] : memref<8192x8192xf32, #tpu.memory_space<hbm>> -> memref<4x8192xf32, #tpu.memory_space<hbm>>
    tpu.enqueue_dma source(%arg7 : memref<4x8192xf32, #tpu.memory_space<vmem>>) target(%dma_start3A_52 : memref<4x8192xf32, #tpu.memory_space<hbm>>) target_semaphore(%arg13 : memref<!tpu.dma_semaphore, #tpu.memory_space<semaphore_mem>>)
    %dma_wait3A_53 = arith.constant 62 : i32
    %dma_wait3A_54 = arith.constant 0 : i32
    %dma_wait3A_55 = tpu.memref_slice %arg5[%dma_wait3A_53, %dma_wait3A_54] : memref<64x4xi32, #tpu.memory_space<vmem>> -> memref<1x4xi32, #tpu.memory_space<vmem>>
    %dma_wait3A_56 = tpu.memref_squeeze %dma_wait3A_55 : memref<1x4xi32, #tpu.memory_space<vmem>> -> memref<4xi32, #tpu.memory_space<vmem>>
    %dma_wait3A_57 = arith.constant 0 : i32
    %dma_wait3A_58 = arith.constant 0 : i32
    %dma_wait3A_59 = tpu.memref_slice %arg2[%dma_wait3A_57, %dma_wait3A_58] : memref<8192x8192xf32, #tpu.memory_space<hbm>> -> memref<8192x8192xf32, #tpu.memory_space<hbm>>
    tpu.wait_indirect_dma semaphore(%arg11 : memref<!tpu.dma_semaphore, #tpu.memory_space<semaphore_mem>>) src(%dma_wait3A_59 : memref<8192x8192xf32, #tpu.memory_space<hbm>>) dst(%arg8 : memref<4x8192xf32, #tpu.memory_space<vmem>>)
    %add3A_60 = arith.constant 248 : i32
    %add3A_61 = arith.addi %mul3A_2, %add3A_60 : i32
    %dma_start3A_62 = arith.constant 0 : i32
    %dma_start3A_63 = tpu.memref_slice %arg4[%add3A_61, %dma_start3A_62] : memref<8192x8192xf32, #tpu.memory_space<hbm>> -> memref<4x8192xf32, #tpu.memory_space<hbm>>
    %dma_start3A_64 = arith.constant 0 : i32
    %dma_start3A_65 = tpu.memref_slice %arg4[%add3A_61, %dma_start3A_64] : memref<8192x8192xf32, #tpu.memory_space<hbm>> -> memref<4x8192xf32, #tpu.memory_space<hbm>>
    tpu.enqueue_dma source(%arg8 : memref<4x8192xf32, #tpu.memory_space<vmem>>) target(%dma_start3A_65 : memref<4x8192xf32, #tpu.memory_space<hbm>>) target_semaphore(%arg14 : memref<!tpu.dma_semaphore, #tpu.memory_space<semaphore_mem>>)
    %add3A_66 = arith.constant 240 : i32
    %add3A_67 = arith.addi %mul3A_2, %add3A_66 : i32
    %dma_wait3A_68 = arith.constant 0 : i32
    %dma_wait3A_69 = tpu.memref_slice %arg4[%add3A_67, %dma_wait3A_68] : memref<8192x8192xf32, #tpu.memory_space<hbm>> -> memref<4x8192xf32, #tpu.memory_space<hbm>>
    %dma_wait3A_70 = arith.constant 0 : i32
    %dma_wait3A_71 = tpu.memref_slice %arg4[%add3A_67, %dma_wait3A_70] : memref<8192x8192xf32, #tpu.memory_space<hbm>> -> memref<4x8192xf32, #tpu.memory_space<hbm>>
    tpu.wait_dma2 semaphore(%arg12 : memref<!tpu.dma_semaphore, #tpu.memory_space<semaphore_mem>>) src(%arg6 : memref<4x8192xf32, #tpu.memory_space<vmem>>) dst(%dma_wait3A_71 : memref<4x8192xf32, #tpu.memory_space<hbm>>)
    %dma_start3A_72 = arith.constant 63 : i32
    %dma_start3A_73 = arith.constant 0 : i32
    %dma_start3A_74 = tpu.memref_slice %arg5[%dma_start3A_72, %dma_start3A_73] : memref<64x4xi32, #tpu.memory_space<vmem>> -> memref<1x4xi32, #tpu.memory_space<vmem>>
    %dma_start3A_75 = tpu.memref_squeeze %dma_start3A_74 : memref<1x4xi32, #tpu.memory_space<vmem>> -> memref<4xi32, #tpu.memory_space<vmem>>
    %dma_start3A_76 = arith.constant 0 : i32
    %dma_start3A_77 = arith.constant 0 : i32
    %dma_start3A_78 = tpu.memref_slice %arg2[%dma_start3A_76, %dma_start3A_77] : memref<8192x8192xf32, #tpu.memory_space<hbm>> -> memref<8192x8192xf32, #tpu.memory_space<hbm>>
    tpu.enqueue_indirect_dma source(%dma_start3A_78 : memref<8192x8192xf32, #tpu.memory_space<hbm>>) target(%arg6 : memref<4x8192xf32, #tpu.memory_space<vmem>>) offsets(%dma_start3A_75 : memref<4xi32, #tpu.memory_space<vmem>>) semaphore(%arg9 : memref<!tpu.dma_semaphore, #tpu.memory_space<semaphore_mem>>)
    %dma_wait3A_79 = arith.constant 63 : i32
    %dma_wait3A_80 = arith.constant 0 : i32
    %dma_wait3A_81 = tpu.memref_slice %arg5[%dma_wait3A_79, %dma_wait3A_80] : memref<64x4xi32, #tpu.memory_space<vmem>> -> memref<1x4xi32, #tpu.memory_space<vmem>>
    %dma_wait3A_82 = tpu.memref_squeeze %dma_wait3A_81 : memref<1x4xi32, #tpu.memory_space<vmem>> -> memref<4xi32, #tpu.memory_space<vmem>>
    %dma_wait3A_83 = arith.constant 0 : i32
    %dma_wait3A_84 = arith.constant 0 : i32
    %dma_wait3A_85 = tpu.memref_slice %arg2[%dma_wait3A_83, %dma_wait3A_84] : memref<8192x8192xf32, #tpu.memory_space<hbm>> -> memref<8192x8192xf32, #tpu.memory_space<hbm>>
    tpu.wait_indirect_dma semaphore(%arg9 : memref<!tpu.dma_semaphore, #tpu.memory_space<semaphore_mem>>) src(%dma_wait3A_85 : memref<8192x8192xf32, #tpu.memory_space<hbm>>) dst(%arg6 : memref<4x8192xf32, #tpu.memory_space<vmem>>)
    %add3A_86 = arith.constant 252 : i32
    %add3A_87 = arith.addi %mul3A_2, %add3A_86 : i32
    %dma_start3A_88 = arith.constant 0 : i32
    %dma_start3A_89 = tpu.memref_slice %arg4[%add3A_87, %dma_start3A_88] : memref<8192x8192xf32, #tpu.memory_space<hbm>> -> memref<4x8192xf32, #tpu.memory_space<hbm>>
    %dma_start3A_90 = arith.constant 0 : i32
    %dma_start3A_91 = tpu.memref_slice %arg4[%add3A_87, %dma_start3A_90] : memref<8192x8192xf32, #tpu.memory_space<hbm>> -> memref<4x8192xf32, #tpu.memory_space<hbm>>
    tpu.enqueue_dma source(%arg6 : memref<4x8192xf32, #tpu.memory_space<vmem>>) target(%dma_start3A_91 : memref<4x8192xf32, #tpu.memory_space<hbm>>) target_semaphore(%arg12 : memref<!tpu.dma_semaphore, #tpu.memory_space<semaphore_mem>>)
    %add3A_92 = arith.constant 244 : i32
    %add3A_93 = arith.addi %mul3A_2, %add3A_92 : i32
    %dma_wait3A_94 = arith.constant 0 : i32
    %dma_wait3A_95 = tpu.memref_slice %arg4[%add3A_93, %dma_wait3A_94] : memref<8192x8192xf32, #tpu.memory_space<hbm>> -> memref<4x8192xf32, #tpu.memory_space<hbm>>
    %dma_wait3A_96 = arith.constant 0 : i32
    %dma_wait3A_97 = tpu.memref_slice %arg4[%add3A_93, %dma_wait3A_96] : memref<8192x8192xf32, #tpu.memory_space<hbm>> -> memref<4x8192xf32, #tpu.memory_space<hbm>>
    tpu.wait_dma2 semaphore(%arg13 : memref<!tpu.dma_semaphore, #tpu.memory_space<semaphore_mem>>) src(%arg7 : memref<4x8192xf32, #tpu.memory_space<vmem>>) dst(%dma_wait3A_97 : memref<4x8192xf32, #tpu.memory_space<hbm>>)
    %add3A_98 = arith.constant 248 : i32
    %add3A_99 = arith.addi %mul3A_2, %add3A_98 : i32
    %dma_wait3A_100 = arith.constant 0 : i32
    %dma_wait3A_101 = tpu.memref_slice %arg4[%add3A_99, %dma_wait3A_100] : memref<8192x8192xf32, #tpu.memory_space<hbm>> -> memref<4x8192xf32, #tpu.memory_space<hbm>>
    %dma_wait3A_102 = arith.constant 0 : i32
    %dma_wait3A_103 = tpu.memref_slice %arg4[%add3A_99, %dma_wait3A_102] : memref<8192x8192xf32, #tpu.memory_space<hbm>> -> memref<4x8192xf32, #tpu.memory_space<hbm>>
    tpu.wait_dma2 semaphore(%arg14 : memref<!tpu.dma_semaphore, #tpu.memory_space<semaphore_mem>>) src(%arg8 : memref<4x8192xf32, #tpu.memory_space<vmem>>) dst(%dma_wait3A_103 : memref<4x8192xf32, #tpu.memory_space<hbm>>)
    %add3A_104 = arith.constant 252 : i32
    %add3A_105 = arith.addi %mul3A_2, %add3A_104 : i32
    %dma_wait3A_106 = arith.constant 0 : i32
    %dma_wait3A_107 = tpu.memref_slice %arg4[%add3A_105, %dma_wait3A_106] : memref<8192x8192xf32, #tpu.memory_space<hbm>> -> memref<4x8192xf32, #tpu.memory_space<hbm>>
    %dma_wait3A_108 = arith.constant 0 : i32
    %dma_wait3A_109 = tpu.memref_slice %arg4[%add3A_105, %dma_wait3A_108] : memref<8192x8192xf32, #tpu.memory_space<hbm>> -> memref<4x8192xf32, #tpu.memory_space<hbm>>
    tpu.wait_dma2 semaphore(%arg12 : memref<!tpu.dma_semaphore, #tpu.memory_space<semaphore_mem>>) src(%arg6 : memref<4x8192xf32, #tpu.memory_space<vmem>>) dst(%dma_wait3A_109 : memref<4x8192xf32, #tpu.memory_space<hbm>>)
    return
  }
}

</mosaic_0001>

<sc_bundles>
// kernel: kernel.3.cloned.1.call-start
scs
__scs_entry_jumppad:
0x0: {  	(pc) =	sbr.rel $0x88, $3  }
0x1: {  	(tag) =	ssettag $0x0;
	lr =	simm.s32 $0x1  }
0x2: {  	[smem:$0x3F9F] =	sst lr;
	_ =	strace $0xD0000000  }
0x3: {  	_ = 	snop  }
0x4: {  	_ = 	snop  }
0x5: {  	_ = 	snop  }
0x6: {  	_ = 	snop  }
0x7: {  	_ = 	snop  }
__scs_overlays_trampoline_lowered:
0x8: {  	[smem:$0x3FAE] =	sst s0  }
0x9: {  	[smem:$0x3FAF] =	sst s1  }
0xa: {  	[smem:$0x3FB0] =	sst s2  }
0xb: {  	[smem:$0x3FB1] =	sst s3  }
0xc: {  	[smem:$0x3FB2] =	sst s4  }
0xd: {  	[smem:$0x3FB3] =	sst s5  }
0xe: {  	[smem:$0x3FB4] =	sst s6  }
0xf: {  	[smem:$0x3FB5] =	sst s7  }
0x10: {  	[smem:$0x3FB6] =	sst s8  }
0x11: {  	[smem:$0x3FB7] =	sst s9;
	s0 =	simm.s32 @!p0 $0x0  }
0x12: {  	s1 =	sld [smem:$0x3F9D];
	s0 =	simm.s32 @p0 $0x1  }
0x13: {  	[smem:$0x3FB8] =	sst s0;
	s0 =	simm.s32 @!p1 $0x0  }
0x14: {  	s2 =	sld [smem:$0x3F9C];
	s0 =	simm.s32 @p1 $0x1  }
0x15: {  	[smem:$0x3FB9] =	sst s0;
	s0 =	simm.s32 @!p2 $0x0  }
0x16: {  	s3 =	sld [smem:$0x3FDB];
	s0 =	simm.s32 @p2 $0x1  }
0x17: {  	s4 =	simm.s32 $0x1BF5;
	[smem:$0x3FBB] =	sst s0  }
0x18: {  	s0 =	sld [smem:$0x3F9E];
	_ =	swait.ge [sflag:s4], $0x0  }
0x19: {  	s7 =	sld [smem:$0x3F9F]  }
0x1a: {  	s8 =	sadd.s32 $0xFFFFE003, lr  }
0x1b: {  	s9 =	sadd.s32 $0xFFFFFEF7, lr;
	s5 =	simm.s32 $0xFFFFFFFF;
	p2 =	slt.u32 s8, $0xFFFFF086  }
0x1c: {  	p1 =	slt.u32 s9, $0xF7A;
	s5 =	simm.s32 @!p2 $0x0  }
0x1d: {  	s5 =	simm.s32 @p1 $0x1;
	p0 =	seq.s32 s7, s2  }
0x1e: {  	s7 =	smul.u32 @!p0 $0xF7A, s2;
	p2 =	seq.s32 @!p0 s5, $0x0  }
0x1f: {  	s9 =	smul.u32 $0xF7A, s1;
	s8 =	simm.s32 @!p0 $0x1BF5;
	p2 =	por !p2, p0  }
0x20: {  	[sflag:s8] =	ssyncset.s32 @!p0 $0xFFFFF086;
	s6 =	sadd.s32 @!p0 s3, s7;
	s7 =	simm.s32 @!p0 $0x108  }
0x21: {  	s3 =	sadd.s32 s3, s9;
	s6 =	sadd.s32 @!p0 $0x88, s6;
	s7 =	simm.s32 @p2 $0x1082  }
0x22: {  	[simem:s7], [sflag:s8] =	dma.local @!p0 [hbm:s6], $0xF7A  }
0x23: {  	s9 =	sor.u32 $0xD0000000, s2;
	s6 =	simm.s32 $0x108;
	_ =	swait.ge @!p0 [sflag:s8], $0x0  }
0x24: {  	s3 =	sadd.s32 $0x88, s3;
	s6 =	simm.s32 @!p1 $0x1082;
	[sflag:s4] =	ssyncset.s32 $0xFFFFF086  }
0x25: {  	[simem:s6], [sflag:s4] =	dma.local [hbm:s3], $0xF7A  }
0x26: {  	[smem:$0x3F9F] =	sst s1;
	(tag) =	ssettag s2;
	_ =	strace s9  }
0x27: {  	s1 =	sld [smem:$0x3FAF]  }
0x28: {  	s2 =	sld [smem:$0x3FB0]  }
0x29: {  	s4 =	sld [smem:$0x3FB2]  }
0x2a: {  	p0 =	seq.s32 s5, $0x0;
	s5 =	sld [smem:$0x3FB3]  }
0x2b: {  	s6 =	sld [smem:$0x3FB4]  }
0x2c: {  	s7 =	sld [smem:$0x3FB5]  }
0x2d: {  	s3 =	simm.s32 $0x108;
	s8 =	sld [smem:$0x3FB6]  }
0x2e: {  	s3 =	simm.s32 @!p0 $0x1082;
	s9 =	sld [smem:$0x3FB7]  }
0x2f: {  	lr =	sadd.s32 s0, s3;
	s0 =	sld [smem:$0x3FAE]  }
0x30: {  	s3 =	sld [smem:$0x3FB1]  }
0x31: {  	[smem:$0x3FBA] =	sst s10  }
0x32: {  	s10 =	sld [smem:$0x3FB8];
	_ =	sdelay $0x3  }
0x33: {  	p0 =	seq.s32 s10, $0x1;
	s10 =	sld [smem:$0x3FBA];
	_ =	sdelay $0x3  }
0x34: {  	[smem:$0x3FBA] =	sst s10  }
0x35: {  	s10 =	sld [smem:$0x3FB9];
	_ =	sdelay $0x3  }
0x36: {  	p1 =	seq.s32 s10, $0x1;
	s10 =	sld [smem:$0x3FBA];
	_ =	sdelay $0x3  }
0x37: {  	[smem:$0x3FBA] =	sst s10  }
0x38: {  	s10 =	sld [smem:$0x3FBB]  }
0x39: {  	_ = 	snop;
	(pc) =	sbr.ind lr, $3  }
0x3a: {  	_ = 	snop  }
0x3b: {  	_ = 	snop  }
0x3c: {  	p2 =	seq.s32 s10, $0x1;
	s10 =	sld [smem:$0x3FBA]  }
0x3d: {  	_ =	shalt  }
0x3e: {  	_ =	shalt  }
0x3f: {  	_ =	shalt  }
0x40: {  	_ =	shalt  }
0x41: {  	_ =	shalt  }
0x42: {  	_ =	shalt  }
0x43: {  	_ =	shalt  }
0x44: {  	_ =	shalt  }
0x45: {  	_ =	shalt  }
0x46: {  	_ =	shalt  }
0x47: {  	_ =	shalt  }
0x48: {  	_ =	shalt  }
0x49: {  	_ =	shalt  }
0x4a: {  	_ =	shalt  }
0x4b: {  	_ =	shalt  }
0x4c: {  	_ =	shalt  }
0x4d: {  	_ =	shalt  }
0x4e: {  	_ =	shalt  }
0x4f: {  	_ =	shalt  }
0x50: {  	_ =	shalt  }
0x51: {  	_ =	shalt  }
0x52: {  	_ =	shalt  }
0x53: {  	_ =	shalt  }
0x54: {  	_ =	shalt  }
0x55: {  	_ =	shalt  }
0x56: {  	_ =	shalt  }
0x57: {  	_ =	shalt  }
0x58: {  	_ =	shalt  }
0x59: {  	_ =	shalt  }
0x5a: {  	_ =	shalt  }
0x5b: {  	_ =	shalt  }
0x5c: {  	_ =	shalt  }
0x5d: {  	_ =	shalt  }
0x5e: {  	_ =	shalt  }
0x5f: {  	_ =	shalt  }
0x60: {  	_ =	shalt  }
0x61: {  	_ =	shalt  }
0x62: {  	_ =	shalt  }
0x63: {  	_ =	shalt  }
0x64: {  	_ =	shalt  }
0x65: {  	_ =	shalt  }
0x66: {  	_ =	shalt  }
0x67: {  	_ =	shalt  }
0x68: {  	_ =	shalt  }
0x69: {  	_ =	shalt  }
0x6a: {  	_ =	shalt  }
0x6b: {  	_ =	shalt  }
0x6c: {  	_ =	shalt  }
0x6d: {  	_ =	shalt  }
0x6e: {  	_ =	shalt  }
0x6f: {  	_ =	shalt  }
0x70: {  	_ =	shalt  }
0x71: {  	_ =	shalt  }
0x72: {  	_ =	shalt  }
0x73: {  	_ =	shalt  }
0x74: {  	_ =	shalt  }
0x75: {  	_ =	shalt  }
0x76: {  	_ =	shalt  }
0x77: {  	_ =	shalt  }
0x78: {  	_ =	shalt  }
0x79: {  	_ =	shalt  }
0x7a: {  	_ =	shalt  }
0x7b: {  	_ =	shalt  }
0x7c: {  	_ =	shalt  }
0x7d: {  	_ =	shalt  }
0x7e: {  	_ =	shalt  }
0x7f: {  	_ =	shalt  }
0x80: {  	_ =	shalt  }
0x81: {  	_ =	shalt  }
0x82: {  	_ =	shalt  }
0x83: {  	_ =	shalt  }
0x84: {  	_ =	shalt  }
0x85: {  	_ =	shalt  }
0x86: {  	_ =	shalt  }
0x87: {  	_ =	shalt  }
.Lfunc_end0:
.L_simem_size_0:
called_computation_lowered:
.L_overlay_start_0:
0x88: {  	s2 =	sld [smem:$0x3FD9]  }
0x89: {  	s3 =	sld [smem:$0x3FFE];
	_ =	sdelay $0x1  }
0x8a: {  	s1 =	srdreg.scid  }
0x8b: {  	s0 =	sand.u32 $0x1, s1  }
0x8c: {  	s17 =	sshll.u32 s0, $0xA;
	s2 =	sadd.s32 s3, s2  }
0x8d: {  	s2 =	sadd.s32 s2, s17  }
0x8e: {  	[smem:$0x3FC6] =	sst s2  }
0x8f: {  	_ = 	snop  }
0x90: {  	s2 =	sld [smem:$0x3FC8]  }
0x91: {  	s18 =	sld [smem:$0x3FD0];
	(tm) =	ssettm $0x1  }
0x92: {  	s4 =	sld [smem:$0x3FFB];
	_ =	sdelay $0x3  }
0x93: {  	_ =	strace s4  }
0x94: {  	s4 =	sld [smem:$0x3FFC];
	_ =	sdelay $0x3  }
0x95: {  	_ =	strace s4  }
0x96: {  	s4 =	sld [smem:$0x3FFD];
	_ =	sdelay $0x3  }
0x97: {  	_ =	strace s4  }
0x98: {  	_ =	strace $0x8FFFFFFF  }
0x99: {  	s19 =	sld [smem:$0x3FDB];
	_ =	sdelay $0x1  }
0x9a: {  	s5 =	simm.s32 $_scs_section_size  }
0x9b: {  	s6 =	simm.s32 $_size__tile_overlayer_lowered;
	s7 =	simm.s32 $_tile_overlayer_lowered  }
0x9c: {  	s22 =	simm.s32 $0x1BFF;
	s21 =	sshll.u32 s7, $0x1;
	s4 =	sadd.s32 s5, s19  }
0x9d: {  	s8 =	simm.s32 $0x0;
	s20 =	sshll.u32 s6, $0x1;
	s6 =	sadd.s32 s21, s4  }
0x9e: {  	[timem:s8], [sflag:s22] =	dma.local [hbm:s6], s20  }
0x9f: {  	_ =	swait.ge [sflag:s22], s20  }
0xa0: {  	s5 =	ssub.s32 $0x0, s20;
	[sflag:s22] =	ssyncset.done $0x0  }
0xa1: {  	[sflag:s22] =	ssyncadd.s32 s5;
	_ =	sdelay $0x1  }
0xa2: {  	s23 =	simm.s32 $0x1B8B  }
0xa3: {  	_ =	swait.ge [sflag:s23], $0x1  }
0xa4: {  	[sflag:s23] =	ssyncset.done $0x0  }
0xa5: {  	s25 =	simm.s32 $0x1B8E;
	s24 =	sld [smem:$0x3FFE];
	[sflag:s23] =	ssyncadd.s32 $0xFFFFFFFF  }
0xa6: {  	s26 =	simm.s32 $execute0_lowered;
	[smem:$0x3FD2] =	sst s25  }
0xa7: {  	s6 =	sshll.u32 s26, $0x1;
	_ =	strace $0x80000046;
	[dreg:$0x1] =	wrdreg $0xFFFFFFFF  }
0xa8: {  	s28 =	simm.s32 $_size_execute0_lowered;
	s4 =	sadd.s32 s4, s6;
	[dreg:$0x0] =	wrdreg $0x0  }
0xa9: {  	s6 =	sshll.u32 s28, $0x1;
	[dreg:$0x2] =	wrdreg s4  }
0xaa: {  	[dreg:$0x3] =	wrdreg s6  }
0xab: {  	[dreg:$0x4] =	wrdreg $0xC0  }
0xac: {  	_ =	task [dreg:s8], $0x5FFFF  }
0xad: {  	[dreg:$0x1] =	wrdreg $0xFFFFFFFF  }
0xae: {  	[dreg:$0x0] =	wrdreg $0x60  }
0xaf: {  	[dreg:$0x2] =	wrdreg s2  }
0xb0: {  	[dreg:$0x3] =	wrdreg s24  }
0xb1: {  	[dreg:$0x4] =	wrdreg s18  }
0xb2: {  	[dreg:$0x5] =	wrdreg $0x9  }
0xb3: {  	_ =	task.clear_ibuf [dreg:s8], $0x6FFFF;
	_ =	strace $0x90000046  }
0xb4: {  	s29 =	simm.s32 $0x9;
	_ =	strace $0x80000048  }
0xb5: {  	_ =	swait.ge [sflag:s29], $0x1  }
0xb6: {  	[sflag:s29] =	ssyncadd.s32 $0xFFFFFFFF  }
0xb7: {  	_ =	strace $0x90000048  }
0xb8: {  	_ =	sfence  }
0xb9: {  	s30 =	sld [smem:$0x0];
	_ =	sdelay $0x2  }
0xba: {  	s31 =	sshll.u32 s1, $0xD;
	s1 =	sshrl.u32 s1, $0x2  }
0xbb: {  	s3 =	sand.u32 $0x4000, s31;
	s1 =	sadd.s32 s1, s30  }
0xbc: {  	s0 =	sor.u32 s3, s0;
	s1 =	sshll.u32 s1, $0x11  }
0xbd: {  	s0 =	sor.u32 s1, s0  }
0xbe: {  	s0 =	sadd.s32 $0x8F2B, s0  }
0xbf: {  	[sflag:s0] =	ssyncadd.remote.s32 $0x1  }
0xc0: {  	_ =	sfence.sel $0xFFFF  }
0xc1: {  	[dreg:$0x0] =	wrdreg $0xFFFFFFFF;
	(pc) =	sbr.abs _section_cstart, $3  }
0xc2: {  	[dreg:$0x1] =	wrdreg $0xFFFFFFFF  }
0xc3: {  	_ =	task.clear_ibuf [dreg:s8], $0x2FFFF;
	_ =	strace $0x9FFFFFFF  }
0xc4: {  	(tm) =	ssettm $0x7FFFFFFF  }
0xc5: {  	_ =	shalt  }
tec
execute0_lowered:
.L_overlay_start_1:
0x0: {  	(tag) =	ssettag $0x1  }
0x1: {  	s20 =	rddreg [dreg:$0x0]  }
0x2: {  	s0 =	rddreg [dreg:$0x1];
	s2 =	srdreg.scid  }
0x3: {  	s1 =	stileid.u32;
	s22 =	rddreg [dreg:$0x2];
	s4 =	simm.s32 $0x0  }
0x4: {  	s29 =	simm.s32 $0xB800;
	s28 =	simm.s32 $0xD800;
	s31 =	simm.s32 $0x3  }
0x5: {  	s30 =	simm.s32 $0x400;
	s2 =	sand.u32 $0x1, s2;
	s3 =	sshll.u32 s1, $0x1  }
0x6: {  	[smem:$0x7FF] =	sst s4;
	s26 =	sadd.s32 $0x200, s20;
	s7 =	sadd.s32 $0x600, s20  }
0x7: {  	s8 =	sadd.s32 $0x800, s20;
	s9 =	sadd.s32 $0xA00, s20;
	s10 =	sadd.s32 $0xC00, s20  }
0x8: {  	s12 =	sadd.s32 $0xE00, s20;
	s13 =	sadd.s32 $0x1000, s20;
	s14 =	sadd.s32 $0x1200, s20  }
0x9: {  	s15 =	sadd.s32 $0x1400, s20;
	_ =	strace $0x80000047;
	[dreg:$0xb] =	wrdreg s26  }
0xa: {  	s16 =	sadd.s32 $0x1600, s20;
	s17 =	sadd.s32 $0x1800, s20;
	[dreg:$0xd] =	wrdreg s7  }
0xb: {  	s18 =	sadd.s32 $0x1A00, s20;
	s19 =	sadd.s32 $0x1C00, s20;
	[dreg:$0xe] =	wrdreg s8  }
0xc: {  	s21 =	sshll.u32 s1, $0x13;
	s1 =	simm.s32 $0x2000;
	[dreg:$0xf] =	wrdreg s9  }
0xd: {  	s3 =	sor.u32 s2, s3;
	s6 =	ssub.s32 $0x2, s2;
	[dreg:$0x10] =	wrdreg s10  }
0xe: {  	s2 =	sshll.u32 s2, $0x12;
	s5 =	sshll.u32 s3, $0xA;
	s25 =	sshrl.u32 s6, $0x1  }
0xf: {  	s11 =	sshll.u32 s3, $0x12;
	s2 =	sor.u32 s2, s21;
	s0 =	sadd.s32 s5, s0  }
0x10: {  	s5 =	ssub.s32 s6, s25;
	s6 =	sadd.s32 $0x400, s20;
	[dreg:$0x4] =	wrdreg s2  }
0x11: {  	s21 =	simm.s32 $0xC000;
	s0 =	sadd.s32 $0x400, s0;
	[dreg:$0xc] =	wrdreg s6  }
0x12: {  	s26 =	smax.u32 s5, $0x1;
	[dreg:$0x5] =	wrdreg s0;
	s0 =	sadd.s32 s11, s22  }
0x13: {  	s3 =	simm.s32 $0xC800;
	[dreg:$0xa] =	wrdreg s26;
	s23 =	sadd.s32 $0x3C000, s0  }
0x14: {  	s20 =	sadd.s32 $0x1E00, s20;
	s24 =	sadd.s32 $0x3C040, s0;
	[dreg:$0x6] =	wrdreg s23  }
0x15: {  	s2 =	simm.s32 $0x12000;
	s25 =	sadd.s32 $0x3E000, s0;
	[dreg:$0x7] =	wrdreg s24  }
0x16: {  	v0 =	vlaneseq.u32;
	s5 =	simm.s32 $0xA000;
	s0 =	sadd.s32 $0x3E040, s0;
	[dreg:$0x8] =	wrdreg s25  }
0x17: {  	v1 =	vshrl.u32 v0, $0x2;
	s6 =	simm.s32 $0x0;
	s26 =	simm.s32 $0xB000;
	[dreg:$0x9] =	wrdreg s0  }
0x18: {  	vm0 =	vmmov $0xffff;
	v0 =	vand.u32 $0x3, v0;
	v1 =	vmul.u32 $0x8, v1;
	s23 =	simm.s32 $0xA800;
	s24 =	simm.s32 $0xD000;
	s25 =	simm.s32 $0x12800  }
.LBB2_1:
0x19: {  	[dreg:$0x11] =	wrdreg s6  }
0x1a: {  	s0 =	rddreg [dreg:$0x5];
	s6 =	simm.s32 $0x7  }
0x1b: {  	[tilespmem:s4], [sflag:$0x7] =	stream.linear.gather [hbm4b:s0+s4], $0x2000, $0x38;
	[tilespmem:$0x1A000] =	vst v63  }
0x1c: {  	_ =	swait.ge [sflag:s6], $0x2000  }
0x1d: {  	[sflag:s6] =	ssyncset.done $0x0  }
0x1e: {  	[sflag:s6] =	ssyncadd.s32 $0xFFFFE000  }
0x1f: {  	v2 =	vld.msk [tilespmem:$0x0], $0xf;
	_ =	sdelay $0x4  }
0x20: {  	v3 =	vshll.u32 v2, $0x6  }
0x21: {  	v2 =	vand.u32 $0x7, v2;
	v3 =	vand.u32 $0xFFFFFE00, v3  }
0x22: {  	v2 =	vor.u32 v2, v3  }
0x23: {  	v2 =	vperm.xlane v2, v0;
	_ =	sdelay $0x1  }
0x24: {  	v2 =	vadd.s32 v1, v2;
	_ =	sdelay $0x3  }
0x25: {  	s0 =	rddreg [dreg:$0x0]  }
0x26: {  	[tilespmem:s1], [sflag:$0x1] =	stream.indirect_vreg.gather [hbm4b:s0+s4], $0x80, v2, vm0, $0xb8;
	[tilespmem:$0x1A000] =	vst v63  }
0x27: {  	s7 =	simm.s32 $0x2800;
	s6 =	rddreg [dreg:$0xb]  }
0x28: {  	[tilespmem:s7], [sflag:$0x1] =	stream.indirect_vreg.gather [hbm4b:s6+s4], $0x80, v2, vm0, $0xb8;
	[tilespmem:$0x1A000] =	vst v63  }
0x29: {  	s8 =	simm.s32 $0x3000;
	s7 =	rddreg [dreg:$0xc]  }
0x2a: {  	[tilespmem:s8], [sflag:$0x1] =	stream.indirect_vreg.gather [hbm4b:s7+s4], $0x80, v2, vm0, $0xb8;
	[tilespmem:$0x1A000] =	vst v63  }
0x2b: {  	s9 =	simm.s32 $0x3800;
	s8 =	rddreg [dreg:$0xd]  }
0x2c: {  	[tilespmem:s9], [sflag:$0x1] =	stream.indirect_vreg.gather [hbm4b:s8+s4], $0x80, v2, vm0, $0xb8;
	[tilespmem:$0x1A000] =	vst v63  }
0x2d: {  	s10 =	simm.s32 $0x4000;
	s9 =	rddreg [dreg:$0xe]  }
0x2e: {  	[tilespmem:s10], [sflag:$0x1] =	stream.indirect_vreg.gather [hbm4b:s9+s4], $0x80, v2, vm0, $0xb8;
	[tilespmem:$0x1A000] =	vst v63  }
0x2f: {  	s11 =	simm.s32 $0x4800;
	s10 =	rddreg [dreg:$0xf]  }
0x30: {  	[tilespmem:s11], [sflag:$0x1] =	stream.indirect_vreg.gather [hbm4b:s10+s4], $0x80, v2, vm0, $0xb8;
	[tilespmem:$0x1A000] =	vst v63  }
0x31: {  	s1 =	simm.s32 $0x5000;
	s11 =	rddreg [dreg:$0x10]  }
0x32: {  	[tilespmem:s1], [sflag:$0x1] =	stream.indirect_vreg.gather [hbm4b:s11+s4], $0x80, v2, vm0, $0xb8;
	[tilespmem:$0x1A000] =	vst v63  }
0x33: {  	s1 =	simm.s32 $0x5800  }
0x34: {  	[tilespmem:s1], [sflag:$0x1] =	stream.indirect_vreg.gather [hbm4b:s12+s4], $0x80, v2, vm0, $0xb8;
	[tilespmem:$0x1A000] =	vst v63  }
0x35: {  	s1 =	simm.s32 $0x6000  }
0x36: {  	[tilespmem:s1], [sflag:$0x1] =	stream.indirect_vreg.gather [hbm4b:s13+s4], $0x80, v2, vm0, $0xb8;
	[tilespmem:$0x1A000] =	vst v63  }
0x37: {  	s1 =	simm.s32 $0x6800  }
0x38: {  	[tilespmem:s1], [sflag:$0x1] =	stream.indirect_vreg.gather [hbm4b:s14+s4], $0x80, v2, vm0, $0xb8;
	[tilespmem:$0x1A000] =	vst v63  }
0x39: {  	s1 =	simm.s32 $0x7000  }
0x3a: {  	[tilespmem:s1], [sflag:$0x1] =	stream.indirect_vreg.gather [hbm4b:s15+s4], $0x80, v2, vm0, $0xb8;
	[tilespmem:$0x1A000] =	vst v63  }
0x3b: {  	s1 =	simm.s32 $0x7800  }
0x3c: {  	[tilespmem:s1], [sflag:$0x1] =	stream.indirect_vreg.gather [hbm4b:s16+s4], $0x80, v2, vm0, $0xb8;
	[tilespmem:$0x1A000] =	vst v63  }
0x3d: {  	s1 =	simm.s32 $0x8000  }
0x3e: {  	[tilespmem:s1], [sflag:$0x1] =	stream.indirect_vreg.gather [hbm4b:s17+s4], $0x80, v2, vm0, $0xb8;
	[tilespmem:$0x1A000] =	vst v63  }
0x3f: {  	s1 =	simm.s32 $0x8800  }
0x40: {  	[tilespmem:s1], [sflag:$0x1] =	stream.indirect_vreg.gather [hbm4b:s18+s4], $0x80, v2, vm0, $0xb8;
	[tilespmem:$0x1A000] =	vst v63  }
0x41: {  	s1 =	simm.s32 $0x9000  }
0x42: {  	[tilespmem:s1], [sflag:$0x1] =	stream.indirect_vreg.gather [hbm4b:s19+s4], $0x80, v2, vm0, $0xb8;
	[tilespmem:$0x1A000] =	vst v63  }
0x43: {  	s1 =	simm.s32 $0x9800  }
0x44: {  	[tilespmem:s1], [sflag:$0x1] =	stream.indirect_vreg.gather [hbm4b:s20+s4], $0x80, v2, vm0, $0xb8;
	[tilespmem:$0x1A000] =	vst v63  }
0x45: {  	v2 =	vld.msk [tilespmem:$0x80], $0xf;
	_ =	sdelay $0x4  }
0x46: {  	v3 =	vshll.u32 v2, $0x6  }
0x47: {  	v2 =	vand.u32 $0x7, v2;
	v3 =	vand.u32 $0xFFFFFE00, v3  }
0x48: {  	v2 =	vor.u32 v2, v3  }
0x49: {  	v2 =	vperm.xlane v2, v0;
	_ =	sdelay $0x1  }
0x4a: {  	v2 =	vadd.s32 v1, v2;
	_ =	sdelay $0x4  }
0x4b: {  	[tilespmem:s5], [sflag:$0x2] =	stream.indirect_vreg.gather [hbm4b:s0+s4], $0x80, v2, vm0, $0xb8;
	[tilespmem:$0x1A000] =	vst v63  }
0x4c: {  	_ = 	snop  }
0x4d: {  	[tilespmem:s23], [sflag:$0x2] =	stream.indirect_vreg.gather [hbm4b:s6+s4], $0x80, v2, vm0, $0xb8;
	[tilespmem:$0x1A000] =	vst v63  }
0x4e: {  	_ = 	snop  }
0x4f: {  	[tilespmem:s26], [sflag:$0x2] =	stream.indirect_vreg.gather [hbm4b:s7+s4], $0x80, v2, vm0, $0xb8;
	[tilespmem:$0x1A000] =	vst v63  }
0x50: {  	_ = 	snop  }
0x51: {  	[tilespmem:s29], [sflag:$0x2] =	stream.indirect_vreg.gather [hbm4b:s8+s4], $0x80, v2, vm0, $0xb8;
	[tilespmem:$0x1A000] =	vst v63  }
0x52: {  	_ = 	snop  }
0x53: {  	[tilespmem:s21], [sflag:$0x2] =	stream.indirect_vreg.gather [hbm4b:s9+s4], $0x80, v2, vm0, $0xb8;
	[tilespmem:$0x1A000] =	vst v63  }
0x54: {  	_ = 	snop  }
0x55: {  	[tilespmem:s3], [sflag:$0x2] =	stream.indirect_vreg.gather [hbm4b:s10+s4], $0x80, v2, vm0, $0xb8;
	[tilespmem:$0x1A000] =	vst v63  }
0x56: {  	_ = 	snop  }
0x57: {  	[tilespmem:s24], [sflag:$0x2] =	stream.indirect_vreg.gather [hbm4b:s11+s4], $0x80, v2, vm0, $0xb8;
	[tilespmem:$0x1A000] =	vst v63  }
0x58: {  	_ = 	snop  }
0x59: {  	[tilespmem:s28], [sflag:$0x2] =	stream.indirect_vreg.gather [hbm4b:s12+s4], $0x80, v2, vm0, $0xb8;
	[tilespmem:$0x1A000] =	vst v63  }
0x5a: {  	s29 =	simm.s32 $0xE000  }
0x5b: {  	[tilespmem:s29], [sflag:$0x2] =	stream.indirect_vreg.gather [hbm4b:s13+s4], $0x80, v2, vm0, $0xb8;
	[tilespmem:$0x1A000] =	vst v63  }
0x5c: {  	s3 =	simm.s32 $0xE800  }
0x5d: {  	[tilespmem:s3], [sflag:$0x2] =	stream.indirect_vreg.gather [hbm4b:s14+s4], $0x80, v2, vm0, $0xb8;
	[tilespmem:$0x1A000] =	vst v63  }
0x5e: {  	s5 =	simm.s32 $0xF000  }
0x5f: {  	[tilespmem:s5], [sflag:$0x2] =	stream.indirect_vreg.gather [hbm4b:s15+s4], $0x80, v2, vm0, $0xb8;
	[tilespmem:$0x1A000] =	vst v63  }
0x60: {  	s21 =	simm.s32 $0xF800  }
0x61: {  	[tilespmem:s21], [sflag:$0x2] =	stream.indirect_vreg.gather [hbm4b:s16+s4], $0x80, v2, vm0, $0xb8;
	[tilespmem:$0x1A000] =	vst v63  }
0x62: {  	s23 =	simm.s32 $0x10000  }
0x63: {  	[tilespmem:s23], [sflag:$0x2] =	stream.indirect_vreg.gather [hbm4b:s17+s4], $0x80, v2, vm0, $0xb8;
	[tilespmem:$0x1A000] =	vst v63  }
0x64: {  	s24 =	simm.s32 $0x10800  }
0x65: {  	[tilespmem:s24], [sflag:$0x2] =	stream.indirect_vreg.gather [hbm4b:s18+s4], $0x80, v2, vm0, $0xb8;
	[tilespmem:$0x1A000] =	vst v63  }
0x66: {  	s26 =	simm.s32 $0x11000  }
0x67: {  	[tilespmem:s26], [sflag:$0x2] =	stream.indirect_vreg.gather [hbm4b:s19+s4], $0x80, v2, vm0, $0xb8;
	[tilespmem:$0x1A000] =	vst v63  }
0x68: {  	s29 =	simm.s32 $0x11800  }
0x69: {  	[tilespmem:s29], [sflag:$0x2] =	stream.indirect_vreg.gather [hbm4b:s20+s4], $0x80, v2, vm0, $0xb8;
	[tilespmem:$0x1A000] =	vst v63  }
0x6a: {  	v2 =	vld.msk [tilespmem:$0x100], $0xf;
	_ =	sdelay $0x4  }
0x6b: {  	v3 =	vshll.u32 v2, $0x6  }
0x6c: {  	v2 =	vand.u32 $0x7, v2;
	v3 =	vand.u32 $0xFFFFFE00, v3  }
0x6d: {  	v2 =	vor.u32 v2, v3  }
0x6e: {  	v2 =	vperm.xlane v2, v0;
	_ =	sdelay $0x1  }
0x6f: {  	v2 =	vadd.s32 v1, v2;
	_ =	sdelay $0x4  }
0x70: {  	[tilespmem:s2], [sflag:$0x3] =	stream.indirect_vreg.gather [hbm4b:s0+s4], $0x80, v2, vm0, $0xb8;
	[tilespmem:$0x1A000] =	vst v63  }
0x71: {  	_ = 	snop  }
0x72: {  	[tilespmem:s25], [sflag:$0x3] =	stream.indirect_vreg.gather [hbm4b:s6+s4], $0x80, v2, vm0, $0xb8;
	[tilespmem:$0x1A000] =	vst v63  }
0x73: {  	s3 =	simm.s32 $0x13000  }
0x74: {  	[tilespmem:s3], [sflag:$0x3] =	stream.indirect_vreg.gather [hbm4b:s7+s4], $0x80, v2, vm0, $0xb8;
	[tilespmem:$0x1A000] =	vst v63  }
0x75: {  	s5 =	simm.s32 $0x13800  }
0x76: {  	[tilespmem:s5], [sflag:$0x3] =	stream.indirect_vreg.gather [hbm4b:s8+s4], $0x80, v2, vm0, $0xb8;
	[tilespmem:$0x1A000] =	vst v63  }
0x77: {  	s6 =	simm.s32 $0x14000  }
0x78: {  	[tilespmem:s6], [sflag:$0x3] =	stream.indirect_vreg.gather [hbm4b:s9+s4], $0x80, v2, vm0, $0xb8;
	[tilespmem:$0x1A000] =	vst v63  }
0x79: {  	s7 =	simm.s32 $0x14800  }
0x7a: {  	[tilespmem:s7], [sflag:$0x3] =	stream.indirect_vreg.gather [hbm4b:s10+s4], $0x80, v2, vm0, $0xb8;
	[tilespmem:$0x1A000] =	vst v63  }
0x7b: {  	s8 =	simm.s32 $0x15000  }
0x7c: {  	[tilespmem:s8], [sflag:$0x3] =	stream.indirect_vreg.gather [hbm4b:s11+s4], $0x80, v2, vm0, $0xb8;
	[tilespmem:$0x1A000] =	vst v63  }
0x7d: {  	s9 =	simm.s32 $0x15800  }
0x7e: {  	[tilespmem:s9], [sflag:$0x3] =	stream.indirect_vreg.gather [hbm4b:s12+s4], $0x80, v2, vm0, $0xb8;
	[tilespmem:$0x1A000] =	vst v63  }
0x7f: {  	s10 =	simm.s32 $0x16000  }
0x80: {  	[tilespmem:s10], [sflag:$0x3] =	stream.indirect_vreg.gather [hbm4b:s13+s4], $0x80, v2, vm0, $0xb8;
	[tilespmem:$0x1A000] =	vst v63  }
0x81: {  	s11 =	simm.s32 $0x16800  }
0x82: {  	[tilespmem:s11], [sflag:$0x3] =	stream.indirect_vreg.gather [hbm4b:s14+s4], $0x80, v2, vm0, $0xb8;
	[tilespmem:$0x1A000] =	vst v63  }
0x83: {  	s21 =	simm.s32 $0x17000  }
0x84: {  	[tilespmem:s21], [sflag:$0x3] =	stream.indirect_vreg.gather [hbm4b:s15+s4], $0x80, v2, vm0, $0xb8;
	[tilespmem:$0x1A000] =	vst v63  }
0x85: {  	s23 =	simm.s32 $0x17800  }
0x86: {  	[tilespmem:s23], [sflag:$0x3] =	stream.indirect_vreg.gather [hbm4b:s16+s4], $0x80, v2, vm0, $0xb8;
	[tilespmem:$0x1A000] =	vst v63  }
0x87: {  	s24 =	simm.s32 $0x18000  }
0x88: {  	[tilespmem:s24], [sflag:$0x3] =	stream.indirect_vreg.gather [hbm4b:s17+s4], $0x80, v2, vm0, $0xb8;
	[tilespmem:$0x1A000] =	vst v63  }
0x89: {  	s28 =	simm.s32 $0x0;
	s26 =	simm.s32 $0x19000;
	s25 =	simm.s32 $0x18800  }
0x8a: {  	[tilespmem:s25], [sflag:$0x3] =	stream.indirect_vreg.gather [hbm4b:s18+s4], $0x80, v2, vm0, $0xb8;
	[tilespmem:$0x1A000] =	vst v63  }
0x8b: {  	s29 =	simm.s32 $0x19800;
	s0 =	simm.s32 $0x40;
	s3 =	simm.s32 $0x0  }
0x8c: {  	[tilespmem:s26], [sflag:$0x3] =	stream.indirect_vreg.gather [hbm4b:s19+s4], $0x80, v2, vm0, $0xb8;
	[tilespmem:$0x1A000] =	vst v63  }
0x8d: {  	s6 =	simm.s32 $0x2;
	s21 =	simm.s32 $0x1;
	s24 =	simm.s32 $0x280  }
0x8e: {  	[tilespmem:s29], [sflag:$0x3] =	stream.indirect_vreg.gather [hbm4b:s20+s4], $0x80, v2, vm0, $0xb8;
	[tilespmem:$0x1A000] =	vst v63  }
.LBB2_2:
0x8f: {  	_ =	swait.ge [sflag:s21], $0x8000  }
0x90: {  	s23 =	sand.u32 $0x40, s3;
	s2 =	rddreg [dreg:$0x4]  }
0x91: {  	s26 =	simm.s32 $0x2000;
	s7 =	simm.s32 $0x200;
	s2 =	sadd.s32 s28, s2  }
0x92: {  	[sflag:s21] =	ssyncset.done $0x0;
	s23 =	sadd.s32 s22, s23;
	s1 =	sand.u32 $0xFFFE000, s2  }
0x93: {  	s5 =	smov.u32 s22;
	[sflag:s21] =	ssyncadd.s32 $0xFFFF8000;
	s1 =	sadd.s32 s1, s23  }
0x94: {  	[hbm4b:s1+s7] =	stream.strided.scatter [tilespmem:s26], [sflag:$0x4], $0x8000, s30, s7, $0x38;
	[tilespmem:$0x1A000] =	vst v63  }
0x95: {  	s25 =	sand.u32 $0x40, s0;
	s11 =	sadd.s32 $0x1000, s2;
	_ =	swait.ge [sflag:s6], $0x8000  }
0x96: {  	s22 =	sadd.s32 s5, s25;
	s1 =	sand.u32 $0xFFFE000, s11;
	[sflag:s6] =	ssyncset.done $0x0  }
0x97: {  	s29 =	simm.s32 $0xA000;
	s1 =	sadd.s32 s1, s22;
	[sflag:s6] =	ssyncadd.s32 $0xFFFF8000  }
0x98: {  	[hbm4b:s1+s7] =	stream.strided.scatter [tilespmem:s29], [sflag:$0x5], $0x8000, s30, s7, $0x38;
	[tilespmem:$0x1A000] =	vst v63  }
0x99: {  	s22 =	smov.u32 s5;
	s5 =	sadd.s32 $0x2000, s2;
	_ =	swait.ge [sflag:s31], $0x8000  }
0x9a: {  	s1 =	sand.u32 $0xFFFE000, s5;
	[sflag:s31] =	ssyncset.done $0x0  }
0x9b: {  	s25 =	simm.s32 $0x12000;
	s1 =	sadd.s32 s1, s23;
	[sflag:s31] =	ssyncadd.s32 $0xFFFF8000  }
0x9c: {  	[hbm4b:s1+s7] =	stream.strided.scatter [tilespmem:s25], [sflag:$0x6], $0x8000, s30, s7, $0x38;
	[tilespmem:$0x1A000] =	vst v63  }
0x9d: {  	s7 =	simm.s32 $0x4  }
0x9e: {  	_ =	swait.ge [sflag:s7], $0x8000  }
0x9f: {  	[sflag:s7] =	ssyncset.done $0x0  }
0xa0: {  	[sflag:s7] =	ssyncadd.s32 $0xFFFF8000  }
0xa1: {  	v2 =	vld.msk [tilespmem:s24+$0xFFFFFF00], $0xf;
	_ =	sdelay $0x4  }
0xa2: {  	v3 =	vshll.u32 v2, $0x6  }
0xa3: {  	v2 =	vand.u32 $0x7, v2;
	v3 =	vand.u32 $0xFFFFFE00, v3  }
0xa4: {  	v2 =	vor.u32 v2, v3  }
0xa5: {  	v2 =	vperm.xlane v2, v0;
	_ =	sdelay $0x1  }
0xa6: {  	v2 =	vadd.s32 v1, v2;
	_ =	sdelay $0x3  }
0xa7: {  	s1 =	rddreg [dreg:$0x0]  }
0xa8: {  	[tilespmem:s26], [sflag:$0x1] =	stream.indirect_vreg.gather [hbm4b:s1+s4], $0x80, v2, vm0, $0xb8;
	[tilespmem:$0x1A000] =	vst v63  }
0xa9: {  	s8 =	simm.s32 $0x2800;
	s7 =	rddreg [dreg:$0xb]  }
0xaa: {  	[tilespmem:s8], [sflag:$0x1] =	stream.indirect_vreg.gather [hbm4b:s7+s4], $0x80, v2, vm0, $0xb8;
	[tilespmem:$0x1A000] =	vst v63  }
0xab: {  	s9 =	simm.s32 $0x3000;
	s8 =	rddreg [dreg:$0xc]  }
0xac: {  	[tilespmem:s9], [sflag:$0x1] =	stream.indirect_vreg.gather [hbm4b:s8+s4], $0x80, v2, vm0, $0xb8;
	[tilespmem:$0x1A000] =	vst v63  }
0xad: {  	s10 =	simm.s32 $0x3800;
	s9 =	rddreg [dreg:$0xd]  }
0xae: {  	[tilespmem:s10], [sflag:$0x1] =	stream.indirect_vreg.gather [hbm4b:s9+s4], $0x80, v2, vm0, $0xb8;
	[tilespmem:$0x1A000] =	vst v63  }
0xaf: {  	s11 =	simm.s32 $0x4000;
	s10 =	rddreg [dreg:$0xe]  }
0xb0: {  	[tilespmem:s11], [sflag:$0x1] =	stream.indirect_vreg.gather [hbm4b:s10+s4], $0x80, v2, vm0, $0xb8;
	[tilespmem:$0x1A000] =	vst v63  }
0xb1: {  	s5 =	simm.s32 $0x4800;
	s11 =	rddreg [dreg:$0xf]  }
0xb2: {  	[tilespmem:s5], [sflag:$0x1] =	stream.indirect_vreg.gather [hbm4b:s11+s4], $0x80, v2, vm0, $0xb8;
	[tilespmem:$0x1A000] =	vst v63  }
0xb3: {  	s31 =	rddreg [dreg:$0x10];
	s5 =	simm.s32 $0x5000  }
0xb4: {  	[tilespmem:s5], [sflag:$0x1] =	stream.indirect_vreg.gather [hbm4b:s31+s4], $0x80, v2, vm0, $0xb8;
	[tilespmem:$0x1A000] =	vst v63  }
0xb5: {  	s5 =	simm.s32 $0x5800  }
0xb6: {  	[tilespmem:s5], [sflag:$0x1] =	stream.indirect_vreg.gather [hbm4b:s12+s4], $0x80, v2, vm0, $0xb8;
	[tilespmem:$0x1A000] =	vst v63  }
0xb7: {  	s5 =	simm.s32 $0x6000  }
0xb8: {  	[tilespmem:s5], [sflag:$0x1] =	stream.indirect_vreg.gather [hbm4b:s13+s4], $0x80, v2, vm0, $0xb8;
	[tilespmem:$0x1A000] =	vst v63  }
0xb9: {  	s5 =	simm.s32 $0x6800  }
0xba: {  	[tilespmem:s5], [sflag:$0x1] =	stream.indirect_vreg.gather [hbm4b:s14+s4], $0x80, v2, vm0, $0xb8;
	[tilespmem:$0x1A000] =	vst v63  }
0xbb: {  	s5 =	simm.s32 $0x7000  }
0xbc: {  	[tilespmem:s5], [sflag:$0x1] =	stream.indirect_vreg.gather [hbm4b:s15+s4], $0x80, v2, vm0, $0xb8;
	[tilespmem:$0x1A000] =	vst v63  }
0xbd: {  	s5 =	simm.s32 $0x7800  }
0xbe: {  	[tilespmem:s5], [sflag:$0x1] =	stream.indirect_vreg.gather [hbm4b:s16+s4], $0x80, v2, vm0, $0xb8;
	[tilespmem:$0x1A000] =	vst v63  }
0xbf: {  	s5 =	simm.s32 $0x8000  }
0xc0: {  	[tilespmem:s5], [sflag:$0x1] =	stream.indirect_vreg.gather [hbm4b:s17+s4], $0x80, v2, vm0, $0xb8;
	[tilespmem:$0x1A000] =	vst v63  }
0xc1: {  	s5 =	simm.s32 $0x8800  }
0xc2: {  	[tilespmem:s5], [sflag:$0x1] =	stream.indirect_vreg.gather [hbm4b:s18+s4], $0x80, v2, vm0, $0xb8;
	[tilespmem:$0x1A000] =	vst v63  }
0xc3: {  	s5 =	simm.s32 $0x9000  }
0xc4: {  	[tilespmem:s5], [sflag:$0x1] =	stream.indirect_vreg.gather [hbm4b:s19+s4], $0x80, v2, vm0, $0xb8;
	[tilespmem:$0x1A000] =	vst v63  }
0xc5: {  	s5 =	simm.s32 $0x9800  }
0xc6: {  	[tilespmem:s5], [sflag:$0x1] =	stream.indirect_vreg.gather [hbm4b:s20+s4], $0x80, v2, vm0, $0xb8;
	[tilespmem:$0x1A000] =	vst v63  }
0xc7: {  	s5 =	simm.s32 $0x5  }
0xc8: {  	_ =	swait.ge [sflag:s5], $0x8000  }
0xc9: {  	[sflag:s5] =	ssyncset.done $0x0  }
0xca: {  	[sflag:s5] =	ssyncadd.s32 $0xFFFF8000  }
0xcb: {  	v2 =	vld.msk [tilespmem:s24+$0xFFFFFF80], $0xf;
	_ =	sdelay $0x4  }
0xcc: {  	v3 =	vshll.u32 v2, $0x6  }
0xcd: {  	v2 =	vand.u32 $0x7, v2;
	v3 =	vand.u32 $0xFFFFFE00, v3  }
0xce: {  	v2 =	vor.u32 v2, v3  }
0xcf: {  	v2 =	vperm.xlane v2, v0;
	_ =	sdelay $0x1  }
0xd0: {  	v2 =	vadd.s32 v1, v2;
	_ =	sdelay $0x4  }
0xd1: {  	[tilespmem:s29], [sflag:$0x2] =	stream.indirect_vreg.gather [hbm4b:s1+s4], $0x80, v2, vm0, $0xb8;
	[tilespmem:$0x1A000] =	vst v63  }
0xd2: {  	s23 =	simm.s32 $0xA800  }
0xd3: {  	[tilespmem:s23], [sflag:$0x2] =	stream.indirect_vreg.gather [hbm4b:s7+s4], $0x80, v2, vm0, $0xb8;
	[tilespmem:$0x1A000] =	vst v63  }
0xd4: {  	s26 =	simm.s32 $0xB000  }
0xd5: {  	[tilespmem:s26], [sflag:$0x2] =	stream.indirect_vreg.gather [hbm4b:s8+s4], $0x80, v2, vm0, $0xb8;
	[tilespmem:$0x1A000] =	vst v63  }
0xd6: {  	s29 =	simm.s32 $0xB800  }
0xd7: {  	[tilespmem:s29], [sflag:$0x2] =	stream.indirect_vreg.gather [hbm4b:s9+s4], $0x80, v2, vm0, $0xb8;
	[tilespmem:$0x1A000] =	vst v63  }
0xd8: {  	s2 =	simm.s32 $0xC000  }
0xd9: {  	[tilespmem:s2], [sflag:$0x2] =	stream.indirect_vreg.gather [hbm4b:s10+s4], $0x80, v2, vm0, $0xb8;
	[tilespmem:$0x1A000] =	vst v63  }
0xda: {  	s2 =	simm.s32 $0xC800  }
0xdb: {  	[tilespmem:s2], [sflag:$0x2] =	stream.indirect_vreg.gather [hbm4b:s11+s4], $0x80, v2, vm0, $0xb8;
	[tilespmem:$0x1A000] =	vst v63  }
0xdc: {  	s2 =	simm.s32 $0xD000  }
0xdd: {  	[tilespmem:s2], [sflag:$0x2] =	stream.indirect_vreg.gather [hbm4b:s31+s4], $0x80, v2, vm0, $0xb8;
	[tilespmem:$0x1A000] =	vst v63  }
0xde: {  	s2 =	simm.s32 $0xD800  }
0xdf: {  	[tilespmem:s2], [sflag:$0x2] =	stream.indirect_vreg.gather [hbm4b:s12+s4], $0x80, v2, vm0, $0xb8;
	[tilespmem:$0x1A000] =	vst v63  }
0xe0: {  	s2 =	simm.s32 $0xE000  }
0xe1: {  	[tilespmem:s2], [sflag:$0x2] =	stream.indirect_vreg.gather [hbm4b:s13+s4], $0x80, v2, vm0, $0xb8;
	[tilespmem:$0x1A000] =	vst v63  }
0xe2: {  	s2 =	simm.s32 $0xE800  }
0xe3: {  	[tilespmem:s2], [sflag:$0x2] =	stream.indirect_vreg.gather [hbm4b:s14+s4], $0x80, v2, vm0, $0xb8;
	[tilespmem:$0x1A000] =	vst v63  }
0xe4: {  	s2 =	simm.s32 $0xF000  }
0xe5: {  	[tilespmem:s2], [sflag:$0x2] =	stream.indirect_vreg.gather [hbm4b:s15+s4], $0x80, v2, vm0, $0xb8;
	[tilespmem:$0x1A000] =	vst v63  }
0xe6: {  	s2 =	simm.s32 $0xF800  }
0xe7: {  	[tilespmem:s2], [sflag:$0x2] =	stream.indirect_vreg.gather [hbm4b:s16+s4], $0x80, v2, vm0, $0xb8;
	[tilespmem:$0x1A000] =	vst v63  }
0xe8: {  	s2 =	simm.s32 $0x10000  }
0xe9: {  	[tilespmem:s2], [sflag:$0x2] =	stream.indirect_vreg.gather [hbm4b:s17+s4], $0x80, v2, vm0, $0xb8;
	[tilespmem:$0x1A000] =	vst v63  }
0xea: {  	s2 =	simm.s32 $0x10800  }
0xeb: {  	[tilespmem:s2], [sflag:$0x2] =	stream.indirect_vreg.gather [hbm4b:s18+s4], $0x80, v2, vm0, $0xb8;
	[tilespmem:$0x1A000] =	vst v63  }
0xec: {  	s2 =	simm.s32 $0x11000  }
0xed: {  	[tilespmem:s2], [sflag:$0x2] =	stream.indirect_vreg.gather [hbm4b:s19+s4], $0x80, v2, vm0, $0xb8;
	[tilespmem:$0x1A000] =	vst v63  }
0xee: {  	s2 =	simm.s32 $0x11800  }
0xef: {  	[tilespmem:s2], [sflag:$0x2] =	stream.indirect_vreg.gather [hbm4b:s20+s4], $0x80, v2, vm0, $0xb8;
	[tilespmem:$0x1A000] =	vst v63  }
0xf0: {  	s2 =	simm.s32 $0x6  }
0xf1: {  	_ =	swait.ge [sflag:s2], $0x8000  }
0xf2: {  	[sflag:s2] =	ssyncset.done $0x0  }
0xf3: {  	[sflag:s2] =	ssyncadd.s32 $0xFFFF8000  }
0xf4: {  	v2 =	vld.msk [tilespmem:s24+$0x0], $0xf;
	_ =	sdelay $0x4  }
0xf5: {  	v3 =	vshll.u32 v2, $0x6  }
0xf6: {  	v2 =	vand.u32 $0x7, v2;
	v3 =	vand.u32 $0xFFFFFE00, v3  }
0xf7: {  	v2 =	vor.u32 v2, v3  }
0xf8: {  	v2 =	vperm.xlane v2, v0;
	_ =	sdelay $0x1  }
0xf9: {  	v2 =	vadd.s32 v1, v2;
	_ =	sdelay $0x4  }
0xfa: {  	[tilespmem:s25], [sflag:$0x3] =	stream.indirect_vreg.gather [hbm4b:s1+s4], $0x80, v2, vm0, $0xb8;
	[tilespmem:$0x1A000] =	vst v63  }
0xfb: {  	s25 =	simm.s32 $0x12800  }
0xfc: {  	[tilespmem:s25], [sflag:$0x3] =	stream.indirect_vreg.gather [hbm4b:s7+s4], $0x80, v2, vm0, $0xb8;
	[tilespmem:$0x1A000] =	vst v63  }
0xfd: {  	s7 =	simm.s32 $0x13000  }
0xfe: {  	[tilespmem:s7], [sflag:$0x3] =	stream.indirect_vreg.gather [hbm4b:s8+s4], $0x80, v2, vm0, $0xb8;
	[tilespmem:$0x1A000] =	vst v63  }
0xff: {  	s8 =	simm.s32 $0x13800  }
0x100: {  	[tilespmem:s8], [sflag:$0x3] =	stream.indirect_vreg.gather [hbm4b:s9+s4], $0x80, v2, vm0, $0xb8;
	[tilespmem:$0x1A000] =	vst v63  }
0x101: {  	s9 =	simm.s32 $0x14000  }
0x102: {  	[tilespmem:s9], [sflag:$0x3] =	stream.indirect_vreg.gather [hbm4b:s10+s4], $0x80, v2, vm0, $0xb8;
	[tilespmem:$0x1A000] =	vst v63  }
0x103: {  	s10 =	simm.s32 $0x14800  }
0x104: {  	[tilespmem:s10], [sflag:$0x3] =	stream.indirect_vreg.gather [hbm4b:s11+s4], $0x80, v2, vm0, $0xb8;
	[tilespmem:$0x1A000] =	vst v63  }
0x105: {  	s7 =	simm.s32 $0x15000  }
0x106: {  	[tilespmem:s7], [sflag:$0x3] =	stream.indirect_vreg.gather [hbm4b:s31+s4], $0x80, v2, vm0, $0xb8;
	[tilespmem:$0x1A000] =	vst v63  }
0x107: {  	s8 =	simm.s32 $0x15800  }
0x108: {  	[tilespmem:s8], [sflag:$0x3] =	stream.indirect_vreg.gather [hbm4b:s12+s4], $0x80, v2, vm0, $0xb8;
	[tilespmem:$0x1A000] =	vst v63  }
0x109: {  	s9 =	simm.s32 $0x16000  }
0x10a: {  	[tilespmem:s9], [sflag:$0x3] =	stream.indirect_vreg.gather [hbm4b:s13+s4], $0x80, v2, vm0, $0xb8;
	[tilespmem:$0x1A000] =	vst v63  }
0x10b: {  	s10 =	simm.s32 $0x16800  }
0x10c: {  	[tilespmem:s10], [sflag:$0x3] =	stream.indirect_vreg.gather [hbm4b:s14+s4], $0x80, v2, vm0, $0xb8;
	[tilespmem:$0x1A000] =	vst v63  }
0x10d: {  	s11 =	simm.s32 $0x17000  }
0x10e: {  	[tilespmem:s11], [sflag:$0x3] =	stream.indirect_vreg.gather [hbm4b:s15+s4], $0x80, v2, vm0, $0xb8;
	[tilespmem:$0x1A000] =	vst v63  }
0x10f: {  	s7 =	simm.s32 $0x17800  }
0x110: {  	[tilespmem:s7], [sflag:$0x3] =	stream.indirect_vreg.gather [hbm4b:s16+s4], $0x80, v2, vm0, $0xb8;
	[tilespmem:$0x1A000] =	vst v63  }
0x111: {  	s8 =	simm.s32 $0x18000  }
0x112: {  	[tilespmem:s8], [sflag:$0x3] =	stream.indirect_vreg.gather [hbm4b:s17+s4], $0x80, v2, vm0, $0xb8;
	[tilespmem:$0x1A000] =	vst v63  }
0x113: {  	p0 =	sne.s32 s28, $0x39000;
	s3 =	sadd.s32 $0x40, s3;
	s9 =	simm.s32 $0x18800  }
0x114: {  	[tilespmem:s9], [sflag:$0x3] =	stream.indirect_vreg.gather [hbm4b:s18+s4], $0x80, v2, vm0, $0xb8;
	[tilespmem:$0x1A000] =	vst v63  }
.Ltmp0:
0x115: {  	s0 =	sadd.s32 $0xC0, s0;
	s28 =	sadd.s32 $0x3000, s28;
	(pc) =	sbr.rel @p0 .LBB2_2-.Ltmp0, $4  }
0x116: {  	s5 =	simm.s32 $0xA000;
	s2 =	simm.s32 $0x12000;
	s10 =	simm.s32 $0x19000  }
0x117: {  	[tilespmem:s10], [sflag:$0x3] =	stream.indirect_vreg.gather [hbm4b:s19+s4], $0x80, v2, vm0, $0xb8;
	[tilespmem:$0x1A000] =	vst v63  }
0x118: {  	s24 =	sadd.s32 $0x180, s24;
	s31 =	simm.s32 $0x3;
	s11 =	simm.s32 $0x19800  }
0x119: {  	[tilespmem:s11], [sflag:$0x3] =	stream.indirect_vreg.gather [hbm4b:s20+s4], $0x80, v2, vm0, $0xb8;
	[tilespmem:$0x1A000] =	vst v63  }
0x11a: {  	_ =	swait.ge [sflag:s21], $0x8000  }
0x11b: {  	s3 =	simm.s32 $0x2000;
	[sflag:s21] =	ssyncset.done $0x0  }
0x11c: {  	s8 =	simm.s32 $0x200;
	s0 =	rddreg [dreg:$0x6];
	[sflag:s21] =	ssyncadd.s32 $0xFFFF8000  }
0x11d: {  	[hbm4b:s0+s8] =	stream.strided.scatter [tilespmem:s3], [sflag:$0x4], $0x8000, s30, s8, $0x38;
	[tilespmem:$0x1A000] =	vst v63  }
0x11e: {  	_ =	swait.ge [sflag:s6], $0x8000  }
0x11f: {  	[sflag:s6] =	ssyncset.done $0x0  }
0x120: {  	s9 =	rddreg [dreg:$0x7];
	[sflag:s6] =	ssyncadd.s32 $0xFFFF8000  }
0x121: {  	[hbm4b:s9+s8] =	stream.strided.scatter [tilespmem:s5], [sflag:$0x5], $0x8000, s30, s8, $0x38;
	[tilespmem:$0x1A000] =	vst v63  }
0x122: {  	_ =	swait.ge [sflag:s31], $0x8000  }
0x123: {  	[sflag:s31] =	ssyncset.done $0x0  }
0x124: {  	s7 =	simm.s32 $0x4;
	s10 =	rddreg [dreg:$0x8];
	[sflag:s31] =	ssyncadd.s32 $0xFFFF8000  }
0x125: {  	[hbm4b:s10+s8] =	stream.strided.scatter [tilespmem:s2], [sflag:$0x6], $0x8000, s30, s8, $0x38;
	[tilespmem:$0x1A000] =	vst v63  }
0x126: {  	_ =	swait.ge [sflag:s7], $0x8000  }
0x127: {  	[sflag:s7] =	ssyncset.done $0x0  }
0x128: {  	[sflag:s7] =	ssyncadd.s32 $0xFFFF8000  }
0x129: {  	v2 =	vld.msk [tilespmem:$0x1F80], $0xf;
	_ =	sdelay $0x4  }
0x12a: {  	v3 =	vshll.u32 v2, $0x6  }
0x12b: {  	v2 =	vand.u32 $0x7, v2;
	v3 =	vand.u32 $0xFFFFFE00, v3  }
0x12c: {  	v2 =	vor.u32 v2, v3  }
0x12d: {  	v2 =	vperm.xlane v2, v0;
	_ =	sdelay $0x1  }
0x12e: {  	v2 =	vadd.s32 v1, v2;
	_ =	sdelay $0x3  }
0x12f: {  	s11 =	rddreg [dreg:$0x0]  }
0x130: {  	[tilespmem:s3], [sflag:$0x1] =	stream.indirect_vreg.gather [hbm4b:s11+s4], $0x80, v2, vm0, $0xb8;
	[tilespmem:$0x1A000] =	vst v63  }
0x131: {  	s24 =	simm.s32 $0x2800;
	s1 =	rddreg [dreg:$0xb]  }
0x132: {  	[tilespmem:s24], [sflag:$0x1] =	stream.indirect_vreg.gather [hbm4b:s1+s4], $0x80, v2, vm0, $0xb8;
	[tilespmem:$0x1A000] =	vst v63  }
0x133: {  	s6 =	rddreg [dreg:$0xc];
	s1 =	simm.s32 $0x3000  }
0x134: {  	[tilespmem:s1], [sflag:$0x1] =	stream.indirect_vreg.gather [hbm4b:s6+s4], $0x80, v2, vm0, $0xb8;
	[tilespmem:$0x1A000] =	vst v63  }
0x135: {  	s9 =	simm.s32 $0x3800;
	s10 =	rddreg [dreg:$0xd]  }
0x136: {  	[tilespmem:s9], [sflag:$0x1] =	stream.indirect_vreg.gather [hbm4b:s10+s4], $0x80, v2, vm0, $0xb8;
	[tilespmem:$0x1A000] =	vst v63  }
0x137: {  	s11 =	simm.s32 $0x4000;
	s24 =	rddreg [dreg:$0xe]  }
0x138: {  	[tilespmem:s11], [sflag:$0x1] =	stream.indirect_vreg.gather [hbm4b:s24+s4], $0x80, v2, vm0, $0xb8;
	[tilespmem:$0x1A000] =	vst v63  }
0x139: {  	s6 =	simm.s32 $0x4800;
	s9 =	rddreg [dreg:$0xf]  }
0x13a: {  	[tilespmem:s6], [sflag:$0x1] =	stream.indirect_vreg.gather [hbm4b:s9+s4], $0x80, v2, vm0, $0xb8;
	[tilespmem:$0x1A000] =	vst v63  }
0x13b: {  	s10 =	simm.s32 $0x5000;
	s11 =	rddreg [dreg:$0x10]  }
0x13c: {  	[tilespmem:s10], [sflag:$0x1] =	stream.indirect_vreg.gather [hbm4b:s11+s4], $0x80, v2, vm0, $0xb8;
	[tilespmem:$0x1A000] =	vst v63  }
0x13d: {  	s24 =	simm.s32 $0x5800  }
0x13e: {  	[tilespmem:s24], [sflag:$0x1] =	stream.indirect_vreg.gather [hbm4b:s12+s4], $0x80, v2, vm0, $0xb8;
	[tilespmem:$0x1A000] =	vst v63  }
0x13f: {  	s1 =	simm.s32 $0x6000  }
0x140: {  	[tilespmem:s1], [sflag:$0x1] =	stream.indirect_vreg.gather [hbm4b:s13+s4], $0x80, v2, vm0, $0xb8;
	[tilespmem:$0x1A000] =	vst v63  }
0x141: {  	s6 =	simm.s32 $0x6800  }
0x142: {  	[tilespmem:s6], [sflag:$0x1] =	stream.indirect_vreg.gather [hbm4b:s14+s4], $0x80, v2, vm0, $0xb8;
	[tilespmem:$0x1A000] =	vst v63  }
0x143: {  	s9 =	simm.s32 $0x7000  }
0x144: {  	[tilespmem:s9], [sflag:$0x1] =	stream.indirect_vreg.gather [hbm4b:s15+s4], $0x80, v2, vm0, $0xb8;
	[tilespmem:$0x1A000] =	vst v63  }
0x145: {  	s10 =	simm.s32 $0x7800  }
0x146: {  	[tilespmem:s10], [sflag:$0x1] =	stream.indirect_vreg.gather [hbm4b:s16+s4], $0x80, v2, vm0, $0xb8;
	[tilespmem:$0x1A000] =	vst v63  }
0x147: {  	s11 =	simm.s32 $0x8000  }
0x148: {  	[tilespmem:s11], [sflag:$0x1] =	stream.indirect_vreg.gather [hbm4b:s17+s4], $0x80, v2, vm0, $0xb8;
	[tilespmem:$0x1A000] =	vst v63  }
0x149: {  	s24 =	simm.s32 $0x8800  }
0x14a: {  	[tilespmem:s24], [sflag:$0x1] =	stream.indirect_vreg.gather [hbm4b:s18+s4], $0x80, v2, vm0, $0xb8;
	[tilespmem:$0x1A000] =	vst v63  }
0x14b: {  	s1 =	simm.s32 $0x9000  }
0x14c: {  	[tilespmem:s1], [sflag:$0x1] =	stream.indirect_vreg.gather [hbm4b:s19+s4], $0x80, v2, vm0, $0xb8;
	[tilespmem:$0x1A000] =	vst v63  }
0x14d: {  	s6 =	simm.s32 $0x9800  }
0x14e: {  	[tilespmem:s6], [sflag:$0x1] =	stream.indirect_vreg.gather [hbm4b:s20+s4], $0x80, v2, vm0, $0xb8;
	[tilespmem:$0x1A000] =	vst v63  }
0x14f: {  	_ =	swait.ge [sflag:s21], $0x8000  }
0x150: {  	[sflag:s21] =	ssyncset.done $0x0  }
0x151: {  	s10 =	simm.s32 $0x5;
	s9 =	rddreg [dreg:$0x9];
	[sflag:s21] =	ssyncadd.s32 $0xFFFF8000  }
0x152: {  	[hbm4b:s9+s8] =	stream.strided.scatter [tilespmem:s3], [sflag:$0x4], $0x8000, s30, s8, $0x38;
	[tilespmem:$0x1A000] =	vst v63  }
0x153: {  	_ =	swait.ge [sflag:s10], $0x8000  }
0x154: {  	[sflag:s10] =	ssyncset.done $0x0  }
0x155: {  	s11 =	simm.s32 $0x6;
	[sflag:s10] =	ssyncadd.s32 $0xFFFF8000  }
0x156: {  	_ =	swait.ge [sflag:s11], $0x8000  }
0x157: {  	[sflag:s11] =	ssyncset.done $0x0  }
0x158: {  	[sflag:s11] =	ssyncadd.s32 $0xFFFF8000  }
0x159: {  	_ =	swait.ge [sflag:s7], $0x8000  }
0x15a: {  	s21 =	rddreg [dreg:$0x11]  }
0x15b: {  	s24 =	rddreg [dreg:$0xa];
	s6 =	sadd.s32 $0x1, s21  }
0x15c: {  	p0 =	sne.s32 s6, s24  }
.Ltmp1:
0x15d: {  	_ = 	snop;
	(pc) =	sbr.rel @p0 .LBB2_1-.Ltmp1, $4  }
0x15e: {  	_ = 	snop  }
0x15f: {  	s28 =	simm.s32 $0xD800  }
0x160: {  	s1 =	simm.s32 $0x2000;
	s3 =	simm.s32 $0xC800;
	[sflag:s7] =	ssyncset.done $0x0  }
0x161: {  	[sflag:s7] =	ssyncadd.s32 $0xFFFF8000;
	s21 =	simm.s32 $0xC000;
	s24 =	simm.s32 $0xD000  }
0x162: {  	_ =	sfence.sel $0x180000  }
0x163: {  	[bflag:$0x0] =	sbarrier.arrive $0xFFFF  }
0x164: {  	_ =	strace $0x90000047  }
0x165: {  	s0 =	stileid.u32;
	[bflag:$0x2] =	sbarrier.arrive $0xFFFF  }
0x166: {  	p0 =	sne.s32 s0, $0x0;
	s0 =	rddreg [dreg:$0x3]  }
0x167: {  	s0 =	sadd.s32 @!p0 $0x100000, s0  }
0x168: {  	[sflag:s0] =	ssyncadd.tile.s32 @!p0 $0x1;
	_ =	shalt  }
.Lfunc_end2:
_tile_overlayer_lowered:
.L_overlay_start_2:
0x169: {  	(tag) =	ssettag $0x2  }
0x16a: {  	s0 =	rddreg [dreg:$0x0];
	s2 =	stileid.u32  }
0x16b: {  	s1 =	rddreg [dreg:$0x1];
	p0 =	sne.s32 s2, $0x0  }
0x16c: {  	s3 =	rddreg [dreg:$0x2];
	[bflag:$0x3] =	sbarrier.arrive $0xFFFF;
	s2 =	simm.s32 @!p0 $0x1C07  }
0x16d: {  	[timem:s3], [sflag:s2] =	dma.local @!p0 [hbm:s0], s1  }
0x16e: {  	s0 =	simm.s32 @!p0 $0x7  }
0x16f: {  	_ =	swait.ge @!p0 [sflag:s0], s1  }
0x170: {  	s1 =	ssub.s32 @!p0 $0x0, s1;
	[sflag:s0] =	ssyncset.done @!p0 $0x0  }
0x171: {  	[sflag:s0] =	ssyncadd.s32 @!p0 s1  }
0x172: {  	[bflag:$0x3] =	sbarrier.arrive $0xFFFF  }
0x173: {  	_ =	shalt  }

</sc_bundles>
